<compile_context>
chip_gen: v7x
topology: tpu7x:2x2x1
jax: 0.10.2.dev20260603
libtpu: 0.0.44.dev20260713+nightly
codegen_flags: <defaults>
</compile_context>

<pallas_src>
import math

import jax
import jax.numpy as jnp
from jax import lax
from jax.experimental import pallas as pl
from jax.experimental.pallas import tpu as pltpu
from jax.experimental.pallas import tpu_sc as plsc

_D = 64
_DP = 128
_SCALE = math.sqrt(_D)
_NC, _NS = 2, 16
_NW = _NC * _NS
_NR = 4


def _build(batch, seq):
    bpw = batch // _NW
    seq_lo = min(seq, 128)
    seq_hi = seq - seq_lo
    mesh = plsc.VectorSubcoreMesh(
        core_axis_name="c", subcore_axis_name="s",
        num_cores=_NC, num_subcores=_NS)

    def body(idx_hbm, table_hbm, out_hbm, *refs):
        idx_v = refs[0:_NR]
        pad_v = refs[_NR:2 * _NR]
        gsem = refs[2 * _NR:3 * _NR]
        wsem = refs[3 * _NR:4 * _NR]
        wid = lax.axis_index("s") * _NC + lax.axis_index("c")
        b0 = wid * bpw

        def fire(j, bb):
            pltpu.sync_copy(idx_hbm.at[pl.ds(bb * seq, seq)], idx_v[j])
            pltpu.async_copy(
                table_hbm.at[idx_v[j].at[pl.ds(0, seq_lo)]],
                pad_v[j].at[pl.ds(0, seq_lo)], gsem[j])
            if seq_hi:
                pltpu.async_copy(
                    table_hbm.at[idx_v[j].at[pl.ds(seq_lo, seq_hi)]],
                    pad_v[j].at[pl.ds(seq_lo, seq_hi)], gsem[j])

        for j in range(2):
            fire(j, b0 + j)

        def step(j, g):
            bb = b0 + g
            nxt = (j + 2) % _NR

            @pl.when(g + 2 < bpw)
            def _():
                @pl.when(g >= 2)
                def _():
                    pltpu.make_async_copy(
                        pad_v[nxt], out_hbm.at[bb - 2], wsem[nxt]).wait()
                fire(nxt, bb + 2)

            pltpu.make_async_copy(out_hbm.at[bb], pad_v[j], gsem[j]).wait()

            def scale(s4, c):
                for u in range(4):
                    for k in range(_D // 16):
                        sl = pl.ds(k * 16, 16)
                        pad_v[j][s4 * 4 + u, sl] = (
                            pad_v[j][s4 * 4 + u, sl] * _SCALE)
                return c

            lax.fori_loop(0, seq // 4, scale, 0)
            pltpu.async_copy(pad_v[j], out_hbm.at[bb], wsem[j])

        def loop(g4, carry):
            for j in range(_NR):
                step(j, g4 * _NR + j)
            return carry

        lax.fori_loop(0, bpw // _NR, loop, 0)
        for j in range(_NR):
            pltpu.make_async_copy(pad_v[j], out_hbm.at[b0 + bpw - _NR + j],
                                  wsem[j]).wait()

    return pl.kernel(
        body,
        out_type=jax.ShapeDtypeStruct((batch, seq, _DP), jnp.float32),
        mesh=mesh,
        compiler_params=pltpu.CompilerParams(use_tc_tiling_on_sc=False),
        scratch_types=(
            [pltpu.VMEM((seq,), jnp.int32) for _ in range(_NR)]
            + [pltpu.VMEM((seq, _DP), jnp.float32) for _ in range(_NR)]
            + [pltpu.SemaphoreType.DMA for _ in range(2 * _NR)]
        ),
    )


def kernel(token_ids_batch, embeddings_table):
    b, s = token_ids_batch.shape
    idx = token_ids_batch.astype(jnp.int32).reshape(b * s)
    table_p = jnp.pad(embeddings_table, ((0, 0), (0, _DP - _D)))
    out = _build(b, s)(idx, table_p)
    return out[:, :, :_D]

# --- scband reference (transcript-rebuilt; emitter-appended) ---
"""Pipeline reference for scband-embedding-82789789598141 (READ-ONLY COPY).

The authoritative reference and input builder live on the scoring server;
editing this copy changes nothing except your own understanding.
"""

import jax, jax.numpy as jnp
import numpy as np
import math

VOCAB_SIZE = 1000000
MODEL_DIM = 64
BATCH = 4096
SEQ_LEN = 200

def setup_inputs(seed: int = 0) -> dict:
    key = jax.random.key(seed)
    k1, k2 = jax.random.split(key)
    token_ids_batch = jax.random.randint(k1, (BATCH, SEQ_LEN), 0, VOCAB_SIZE, dtype=jnp.int64 if jax.config.jax_enable_x64 else jnp.int32)
    embeddings_table = jax.random.normal(k2, (VOCAB_SIZE, MODEL_DIM), dtype=jnp.float32)
    return {"token_ids_batch": token_ids_batch, "embeddings_table": embeddings_table}

def reference(token_ids_batch, embeddings_table):
    assert token_ids_batch.ndim == 2
    embeddings = jnp.take(embeddings_table, token_ids_batch, axis=0)
    return embeddings * math.sqrt(MODEL_DIM)

if __name__ == "__main__":
    import jax
    _d = setup_inputs()
    print(jax.jit(kernel)(*tuple(_d.values())))

</pallas_src>

<mosaic_0001>
#map = affine_map<(d0, d1) -> (0)>
#map1 = affine_map<(d0, d1) -> (0, 0)>
#map2 = affine_map<(d0, d1) -> (0, 0, 0)>
module attributes {stable_mosaic.version = 14 : i64} {
  func.func @body(%arg0: i32, %arg1: i32, %arg2: memref<819200xi32, #tpu.memory_space<hbm>>, %arg3: memref<1000000x128xf32, #tpu.memory_space<hbm>>, %arg4: memref<4096x200x128xf32, #tpu.memory_space<hbm>>, %arg5: memref<200xi32, #tpu.memory_space<vmem>>, %arg6: memref<200xi32, #tpu.memory_space<vmem>>, %arg7: memref<200xi32, #tpu.memory_space<vmem>>, %arg8: memref<200xi32, #tpu.memory_space<vmem>>, %arg9: memref<200x128xf32, #tpu.memory_space<vmem>>, %arg10: memref<200x128xf32, #tpu.memory_space<vmem>>, %arg11: memref<200x128xf32, #tpu.memory_space<vmem>>, %arg12: memref<200x128xf32, #tpu.memory_space<vmem>>, %arg13: memref<!tpu.dma_semaphore, #tpu.memory_space<semaphore_mem>>, %arg14: memref<!tpu.dma_semaphore, #tpu.memory_space<semaphore_mem>>, %arg15: memref<!tpu.dma_semaphore, #tpu.memory_space<semaphore_mem>>, %arg16: memref<!tpu.dma_semaphore, #tpu.memory_space<semaphore_mem>>, %arg17: memref<!tpu.dma_semaphore, #tpu.memory_space<semaphore_mem>>, %arg18: memref<!tpu.dma_semaphore, #tpu.memory_space<semaphore_mem>>, %arg19: memref<!tpu.dma_semaphore, #tpu.memory_space<semaphore_mem>>, %arg20: memref<!tpu.dma_semaphore, #tpu.memory_space<semaphore_mem>>) attributes {dimension_semantics = [#tpu.dimension_semantics<core_parallel>, #tpu.dimension_semantics<subcore_parallel>], iteration_bounds = array<i64: 2, 16>, scalar_prefetch = 0 : i64, scratch_operands = 16 : i64, tpu.core_type = #tpu.core_type<sc_vector_subcore>, window_params = [{transform_indices = #map}, {transform_indices = #map1}, {transform_indices = #map2}]} {
    %mul3A = arith.constant 2 : i32
    %mul3A_0 = arith.muli %arg1, %mul3A : i32
    %add3A = arith.addi %mul3A_0, %arg0 : i32
    %mul3A_1 = arith.constant 128 : i32
    %mul3A_2 = arith.muli %add3A, %mul3A_1 : i32
    %add3A_3 = arith.constant 0 : i32
    %add3A_4 = arith.addi %mul3A_2, %add3A_3 : i32
    %mul3A_5 = arith.constant 200 : i32
    %mul3A_6 = arith.muli %add3A_4, %mul3A_5 : i32
    "tpu.region"() ({
      %run_scoped3A = tpu.sem_alloc : memref<!tpu.dma_semaphore, #tpu.memory_space<semaphore_mem>>
      %dma_start3A_101 = tpu.memref_slice %arg2[%mul3A_6] : memref<819200xi32, #tpu.memory_space<hbm>> -> memref<200xi32, #tpu.memory_space<hbm>>
      %dma_start3A_102 = tpu.memref_slice %arg2[%mul3A_6] : memref<819200xi32, #tpu.memory_space<hbm>> -> memref<200xi32, #tpu.memory_space<hbm>>
      tpu.enqueue_dma source(%dma_start3A_102 : memref<200xi32, #tpu.memory_space<hbm>>) target(%arg5 : memref<200xi32, #tpu.memory_space<vmem>>) target_semaphore(%run_scoped3A : memref<!tpu.dma_semaphore, #tpu.memory_space<semaphore_mem>>)
      %dma_wait3A_103 = tpu.memref_slice %arg2[%mul3A_6] : memref<819200xi32, #tpu.memory_space<hbm>> -> memref<200xi32, #tpu.memory_space<hbm>>
      %dma_wait3A_104 = tpu.memref_slice %arg2[%mul3A_6] : memref<819200xi32, #tpu.memory_space<hbm>> -> memref<200xi32, #tpu.memory_space<hbm>>
      tpu.wait_dma2 semaphore(%run_scoped3A : memref<!tpu.dma_semaphore, #tpu.memory_space<semaphore_mem>>) src(%dma_wait3A_104 : memref<200xi32, #tpu.memory_space<hbm>>) dst(%arg5 : memref<200xi32, #tpu.memory_space<vmem>>)
      tpu.yield
    }) : () -> ()
    %dma_start3A = arith.constant 0 : i32
    %dma_start3A_7 = arith.constant 0 : i32
    %dma_start3A_8 = tpu.memref_slice %arg9[%dma_start3A, %dma_start3A_7] : memref<200x128xf32, #tpu.memory_space<vmem>> -> memref<128x128xf32, #tpu.memory_space<vmem>>
    %dma_start3A_9 = arith.constant 0 : i32
    %dma_start3A_10 = tpu.memref_slice %arg5[%dma_start3A_9] : memref<200xi32, #tpu.memory_space<vmem>> -> memref<128xi32, #tpu.memory_space<vmem>>
    %dma_start3A_11 = arith.constant 0 : i32
    %dma_start3A_12 = arith.constant 0 : i32
    %dma_start3A_13 = tpu.memref_slice %arg3[%dma_start3A_11, %dma_start3A_12] : memref<1000000x128xf32, #tpu.memory_space<hbm>> -> memref<1000000x128xf32, #tpu.memory_space<hbm>>
    tpu.enqueue_indirect_dma source(%dma_start3A_13 : memref<1000000x128xf32, #tpu.memory_space<hbm>>) target(%dma_start3A_8 : memref<128x128xf32, #tpu.memory_space<vmem>>) offsets(%dma_start3A_10 : memref<128xi32, #tpu.memory_space<vmem>>) semaphore(%arg13 : memref<!tpu.dma_semaphore, #tpu.memory_space<semaphore_mem>>)
    %dma_start3A_14 = arith.constant 128 : i32
    %dma_start3A_15 = arith.constant 0 : i32
    %dma_start3A_16 = tpu.memref_slice %arg9[%dma_start3A_14, %dma_start3A_15] : memref<200x128xf32, #tpu.memory_space<vmem>> -> memref<72x128xf32, #tpu.memory_space<vmem>>
    %dma_start3A_17 = arith.constant 128 : i32
    %dma_start3A_18 = tpu.memref_slice %arg5[%dma_start3A_17] : memref<200xi32, #tpu.memory_space<vmem>> -> memref<72xi32, #tpu.memory_space<vmem>>
    %dma_start3A_19 = arith.constant 0 : i32
    %dma_start3A_20 = arith.constant 0 : i32
    %dma_start3A_21 = tpu.memref_slice %arg3[%dma_start3A_19, %dma_start3A_20] : memref<1000000x128xf32, #tpu.memory_space<hbm>> -> memref<1000000x128xf32, #tpu.memory_space<hbm>>
    tpu.enqueue_indirect_dma source(%dma_start3A_21 : memref<1000000x128xf32, #tpu.memory_space<hbm>>) target(%dma_start3A_16 : memref<72x128xf32, #tpu.memory_space<vmem>>) offsets(%dma_start3A_18 : memref<72xi32, #tpu.memory_space<vmem>>) semaphore(%arg13 : memref<!tpu.dma_semaphore, #tpu.memory_space<semaphore_mem>>)
    %add3A_22 = arith.constant 1 : i32
    %add3A_23 = arith.addi %mul3A_2, %add3A_22 : i32
    %mul3A_24 = arith.constant 200 : i32
    %mul3A_25 = arith.muli %add3A_23, %mul3A_24 : i32
    "tpu.region"() ({
      %run_scoped3A = tpu.sem_alloc : memref<!tpu.dma_semaphore, #tpu.memory_space<semaphore_mem>>
      %dma_start3A_101 = tpu.memref_slice %arg2[%mul3A_25] : memref<819200xi32, #tpu.memory_space<hbm>> -> memref<200xi32, #tpu.memory_space<hbm>>
      %dma_start3A_102 = tpu.memref_slice %arg2[%mul3A_25] : memref<819200xi32, #tpu.memory_space<hbm>> -> memref<200xi32, #tpu.memory_space<hbm>>
      tpu.enqueue_dma source(%dma_start3A_102 : memref<200xi32, #tpu.memory_space<hbm>>) target(%arg6 : memref<200xi32, #tpu.memory_space<vmem>>) target_semaphore(%run_scoped3A : memref<!tpu.dma_semaphore, #tpu.memory_space<semaphore_mem>>)
      %dma_wait3A_103 = tpu.memref_slice %arg2[%mul3A_25] : memref<819200xi32, #tpu.memory_space<hbm>> -> memref<200xi32, #tpu.memory_space<hbm>>
      %dma_wait3A_104 = tpu.memref_slice %arg2[%mul3A_25] : memref<819200xi32, #tpu.memory_space<hbm>> -> memref<200xi32, #tpu.memory_space<hbm>>
      tpu.wait_dma2 semaphore(%run_scoped3A : memref<!tpu.dma_semaphore, #tpu.memory_space<semaphore_mem>>) src(%dma_wait3A_104 : memref<200xi32, #tpu.memory_space<hbm>>) dst(%arg6 : memref<200xi32, #tpu.memory_space<vmem>>)
      tpu.yield
    }) : () -> ()
    %dma_start3A_26 = arith.constant 0 : i32
    %dma_start3A_27 = arith.constant 0 : i32
    %dma_start3A_28 = tpu.memref_slice %arg10[%dma_start3A_26, %dma_start3A_27] : memref<200x128xf32, #tpu.memory_space<vmem>> -> memref<128x128xf32, #tpu.memory_space<vmem>>
    %dma_start3A_29 = arith.constant 0 : i32
    %dma_start3A_30 = tpu.memref_slice %arg6[%dma_start3A_29] : memref<200xi32, #tpu.memory_space<vmem>> -> memref<128xi32, #tpu.memory_space<vmem>>
    %dma_start3A_31 = arith.constant 0 : i32
    %dma_start3A_32 = arith.constant 0 : i32
    %dma_start3A_33 = tpu.memref_slice %arg3[%dma_start3A_31, %dma_start3A_32] : memref<1000000x128xf32, #tpu.memory_space<hbm>> -> memref<1000000x128xf32, #tpu.memory_space<hbm>>
    tpu.enqueue_indirect_dma source(%dma_start3A_33 : memref<1000000x128xf32, #tpu.memory_space<hbm>>) target(%dma_start3A_28 : memref<128x128xf32, #tpu.memory_space<vmem>>) offsets(%dma_start3A_30 : memref<128xi32, #tpu.memory_space<vmem>>) semaphore(%arg14 : memref<!tpu.dma_semaphore, #tpu.memory_space<semaphore_mem>>)
    %dma_start3A_34 = arith.constant 128 : i32
    %dma_start3A_35 = arith.constant 0 : i32
    %dma_start3A_36 = tpu.memref_slice %arg10[%dma_start3A_34, %dma_start3A_35] : memref<200x128xf32, #tpu.memory_space<vmem>> -> memref<72x128xf32, #tpu.memory_space<vmem>>
    %dma_start3A_37 = arith.constant 128 : i32
    %dma_start3A_38 = tpu.memref_slice %arg6[%dma_start3A_37] : memref<200xi32, #tpu.memory_space<vmem>> -> memref<72xi32, #tpu.memory_space<vmem>>
    %dma_start3A_39 = arith.constant 0 : i32
    %dma_start3A_40 = arith.constant 0 : i32
    %dma_start3A_41 = tpu.memref_slice %arg3[%dma_start3A_39, %dma_start3A_40] : memref<1000000x128xf32, #tpu.memory_space<hbm>> -> memref<1000000x128xf32, #tpu.memory_space<hbm>>
    tpu.enqueue_indirect_dma source(%dma_start3A_41 : memref<1000000x128xf32, #tpu.memory_space<hbm>>) target(%dma_start3A_36 : memref<72x128xf32, #tpu.memory_space<vmem>>) offsets(%dma_start3A_38 : memref<72xi32, #tpu.memory_space<vmem>>) semaphore(%arg14 : memref<!tpu.dma_semaphore, #tpu.memory_space<semaphore_mem>>)
    %scan3A = arith.constant 0 : i32
    %scan3A_42 = arith.constant 0 : i32
    %scan3A_43 = arith.constant 32 : i32
    %scan3A_44 = arith.addi %scan3A_42, %scan3A_43 : i32
    %scan3A_45 = arith.constant 1 : i32
    scf.for %scan3A_101 = %scan3A_42 to %scan3A_44 step %scan3A_45  : i32 {
      %mul3A_102 = arith.constant 4 : i32
      %mul3A_103 = arith.muli %scan3A_101, %mul3A_102 : i32
      %add3A_104 = arith.constant 0 : i32
      %add3A_105 = arith.addi %mul3A_103, %add3A_104 : i32
      %add3A_106 = arith.addi %mul3A_2, %add3A_105 : i32
      %add3A_107 = arith.constant 2 : i32
      %add3A_108 = arith.addi %add3A_105, %add3A_107 : i32
      %lt3A = arith.constant 128 : i32
      %lt3A_109 = arith.cmpi slt, %add3A_108, %lt3A : i32
      %convert_element_type3A = arith.extui %lt3A_109 : i1 to i32
      %cond3A = arith.constant 0 : i32
      %cond3A_110 = arith.cmpi ne, %convert_element_type3A, %cond3A : i32
      scf.if %cond3A_110 {
        %ge3A = arith.constant 2 : i32
        %ge3A_235 = arith.cmpi sge, %add3A_105, %ge3A : i32
        %convert_element_type3A_236 = arith.extui %ge3A_235 : i1 to i32
        %cond3A_237 = arith.constant 0 : i32
        %cond3A_238 = arith.cmpi ne, %convert_element_type3A_236, %cond3A_237 : i32
        scf.if %cond3A_238 {
          %sub3A_259 = arith.constant 2 : i32
          %sub3A_260 = arith.subi %add3A_106, %sub3A_259 : i32
          %dma_wait3A_261 = arith.constant 0 : i32
          %dma_wait3A_262 = arith.constant 0 : i32
          %dma_wait3A_263 = tpu.memref_slice %arg4[%sub3A_260, %dma_wait3A_261, %dma_wait3A_262] : memref<4096x200x128xf32, #tpu.memory_space<hbm>> -> memref<1x200x128xf32, #tpu.memory_space<hbm>>
          %dma_wait3A_264 = tpu.memref_squeeze %dma_wait3A_263 : memref<1x200x128xf32, #tpu.memory_space<hbm>> -> memref<200x128xf32, #tpu.memory_space<hbm>>
          %dma_wait3A_265 = arith.constant 0 : i32
          %dma_wait3A_266 = arith.constant 0 : i32
          %dma_wait3A_267 = tpu.memref_slice %arg4[%sub3A_260, %dma_wait3A_265, %dma_wait3A_266] : memref<4096x200x128xf32, #tpu.memory_space<hbm>> -> memref<1x200x128xf32, #tpu.memory_space<hbm>>
          %dma_wait3A_268 = tpu.memref_squeeze %dma_wait3A_267 : memref<1x200x128xf32, #tpu.memory_space<hbm>> -> memref<200x128xf32, #tpu.memory_space<hbm>>
          tpu.wait_dma2 semaphore(%arg19 : memref<!tpu.dma_semaphore, #tpu.memory_space<semaphore_mem>>) src(%arg11 : memref<200x128xf32, #tpu.memory_space<vmem>>) dst(%dma_wait3A_268 : memref<200x128xf32, #tpu.memory_space<hbm>>)
        } else {
        }
        %add3A_239 = arith.constant 2 : i32
        %add3A_240 = arith.addi %add3A_106, %add3A_239 : i32
        %mul3A_241 = arith.constant 200 : i32
        %mul3A_242 = arith.muli %add3A_240, %mul3A_241 : i32
        "tpu.region"() ({
          %run_scoped3A = tpu.sem_alloc : memref<!tpu.dma_semaphore, #tpu.memory_space<semaphore_mem>>
          %dma_start3A_259 = tpu.memref_slice %arg2[%mul3A_242] : memref<819200xi32, #tpu.memory_space<hbm>> -> memref<200xi32, #tpu.memory_space<hbm>>
          %dma_start3A_260 = tpu.memref_slice %arg2[%mul3A_242] : memref<819200xi32, #tpu.memory_space<hbm>> -> memref<200xi32, #tpu.memory_space<hbm>>
          tpu.enqueue_dma source(%dma_start3A_260 : memref<200xi32, #tpu.memory_space<hbm>>) target(%arg7 : memref<200xi32, #tpu.memory_space<vmem>>) target_semaphore(%run_scoped3A : memref<!tpu.dma_semaphore, #tpu.memory_space<semaphore_mem>>)
          %dma_wait3A_261 = tpu.memref_slice %arg2[%mul3A_242] : memref<819200xi32, #tpu.memory_space<hbm>> -> memref<200xi32, #tpu.memory_space<hbm>>
          %dma_wait3A_262 = tpu.memref_slice %arg2[%mul3A_242] : memref<819200xi32, #tpu.memory_space<hbm>> -> memref<200xi32, #tpu.memory_space<hbm>>
          tpu.wait_dma2 semaphore(%run_scoped3A : memref<!tpu.dma_semaphore, #tpu.memory_space<semaphore_mem>>) src(%dma_wait3A_262 : memref<200xi32, #tpu.memory_space<hbm>>) dst(%arg7 : memref<200xi32, #tpu.memory_space<vmem>>)
          tpu.yield
        }) : () -> ()
        %dma_start3A_243 = arith.constant 0 : i32
        %dma_start3A_244 = arith.constant 0 : i32
        %dma_start3A_245 = tpu.memref_slice %arg11[%dma_start3A_243, %dma_start3A_244] : memref<200x128xf32, #tpu.memory_space<vmem>> -> memref<128x128xf32, #tpu.memory_space<vmem>>
        %dma_start3A_246 = arith.constant 0 : i32
        %dma_start3A_247 = tpu.memref_slice %arg7[%dma_start3A_246] : memref<200xi32, #tpu.memory_space<vmem>> -> memref<128xi32, #tpu.memory_space<vmem>>
        %dma_start3A_248 = arith.constant 0 : i32
        %dma_start3A_249 = arith.constant 0 : i32
        %dma_start3A_250 = tpu.memref_slice %arg3[%dma_start3A_248, %dma_start3A_249] : memref<1000000x128xf32, #tpu.memory_space<hbm>> -> memref<1000000x128xf32, #tpu.memory_space<hbm>>
        tpu.enqueue_indirect_dma source(%dma_start3A_250 : memref<1000000x128xf32, #tpu.memory_space<hbm>>) target(%dma_start3A_245 : memref<128x128xf32, #tpu.memory_space<vmem>>) offsets(%dma_start3A_247 : memref<128xi32, #tpu.memory_space<vmem>>) semaphore(%arg15 : memref<!tpu.dma_semaphore, #tpu.memory_space<semaphore_mem>>)
        %dma_start3A_251 = arith.constant 128 : i32
        %dma_start3A_252 = arith.constant 0 : i32
        %dma_start3A_253 = tpu.memref_slice %arg11[%dma_start3A_251, %dma_start3A_252] : memref<200x128xf32, #tpu.memory_space<vmem>> -> memref<72x128xf32, #tpu.memory_space<vmem>>
        %dma_start3A_254 = arith.constant 128 : i32
        %dma_start3A_255 = tpu.memref_slice %arg7[%dma_start3A_254] : memref<200xi32, #tpu.memory_space<vmem>> -> memref<72xi32, #tpu.memory_space<vmem>>
        %dma_start3A_256 = arith.constant 0 : i32
        %dma_start3A_257 = arith.constant 0 : i32
        %dma_start3A_258 = tpu.memref_slice %arg3[%dma_start3A_256, %dma_start3A_257] : memref<1000000x128xf32, #tpu.memory_space<hbm>> -> memref<1000000x128xf32, #tpu.memory_space<hbm>>
        tpu.enqueue_indirect_dma source(%dma_start3A_258 : memref<1000000x128xf32, #tpu.memory_space<hbm>>) target(%dma_start3A_253 : memref<72x128xf32, #tpu.memory_space<vmem>>) offsets(%dma_start3A_255 : memref<72xi32, #tpu.memory_space<vmem>>) semaphore(%arg15 : memref<!tpu.dma_semaphore, #tpu.memory_space<semaphore_mem>>)
      } else {
      }
      %dma_wait3A_111 = arith.constant 0 : i32
      %dma_wait3A_112 = arith.constant 0 : i32
      %dma_wait3A_113 = tpu.memref_slice %arg4[%add3A_106, %dma_wait3A_111, %dma_wait3A_112] : memref<4096x200x128xf32, #tpu.memory_space<hbm>> -> memref<1x200x128xf32, #tpu.memory_space<hbm>>
      %dma_wait3A_114 = tpu.memref_squeeze %dma_wait3A_113 : memref<1x200x128xf32, #tpu.memory_space<hbm>> -> memref<200x128xf32, #tpu.memory_space<hbm>>
      %dma_wait3A_115 = arith.constant 0 : i32
      %dma_wait3A_116 = arith.constant 0 : i32
      %dma_wait3A_117 = tpu.memref_slice %arg4[%add3A_106, %dma_wait3A_115, %dma_wait3A_116] : memref<4096x200x128xf32, #tpu.memory_space<hbm>> -> memref<1x200x128xf32, #tpu.memory_space<hbm>>
      %dma_wait3A_118 = tpu.memref_squeeze %dma_wait3A_117 : memref<1x200x128xf32, #tpu.memory_space<hbm>> -> memref<200x128xf32, #tpu.memory_space<hbm>>
      tpu.wait_dma2 semaphore(%arg13 : memref<!tpu.dma_semaphore, #tpu.memory_space<semaphore_mem>>) src(%dma_wait3A_118 : memref<200x128xf32, #tpu.memory_space<hbm>>) dst(%arg9 : memref<200x128xf32, #tpu.memory_space<vmem>>)
      %scan3A_119 = arith.constant 0 : i32
      %scan3A_120 = arith.constant 0 : i32
      %scan3A_121 = arith.constant 50 : i32
      %scan3A_122 = arith.addi %scan3A_120, %scan3A_121 : i32
      %scan3A_123 = arith.constant 1 : i32
      scf.for %scan3A_235 = %scan3A_120 to %scan3A_122 step %scan3A_123  : i32 {
        %mul3A_236 = arith.constant 4 : i32
        %mul3A_237 = arith.muli %scan3A_235, %mul3A_236 : i32
        %add3A_238 = arith.constant 0 : i32
        %add3A_239 = arith.addi %mul3A_237, %add3A_238 : i32
        %get3A = arith.index_cast %add3A_239 : i32 to index
        %get3A_240 = arith.constant 0 : index
        %get3A_241 = tpu.vector_load %arg9[%get3A, %get3A_240] {strides = array<i32>} : memref<200x128xf32, #tpu.memory_space<vmem>>, vector<1x16xf32>,
        %get3A_242 = vector.shape_cast %get3A_241 : vector<1x16xf32> to vector<16xf32>
        %mul3A_243 = arith.constant 8.000000e+00 : f32
        %mul3A_244 = vector.broadcast %mul3A_243 : f32 to vector<16xf32>
        %mul3A_245 = arith.mulf %get3A_242, %mul3A_244 : vector<16xf32>
        %mul3A_246 = arith.constant 4 : i32
        %mul3A_247 = arith.muli %scan3A_235, %mul3A_246 : i32
        %add3A_248 = arith.constant 0 : i32
        %add3A_249 = arith.addi %mul3A_247, %add3A_248 : i32
        %swap3A = arith.index_cast %add3A_249 : i32 to index
        %swap3A_250 = arith.constant 0 : index
        %swap3A_251 = tpu.vector_load %arg9[%swap3A, %swap3A_250] {strides = array<i32>} : memref<200x128xf32, #tpu.memory_space<vmem>>, vector<1x16xf32>,
        %swap3A_252 = vector.shape_cast %swap3A_251 : vector<1x16xf32> to vector<16xf32>
        %swap3A_253 = vector.shape_cast %mul3A_245 : vector<16xf32> to vector<1x16xf32>
        tpu.vector_store %arg9[%swap3A, %swap3A_250], %swap3A_253 {strides = array<i32>} : memref<200x128xf32, #tpu.memory_space<vmem>>, vector<1x16xf32>,
        %mul3A_254 = arith.constant 4 : i32
        %mul3A_255 = arith.muli %scan3A_235, %mul3A_254 : i32
        %add3A_256 = arith.constant 0 : i32
        %add3A_257 = arith.addi %mul3A_255, %add3A_256 : i32
        %get3A_258 = arith.index_cast %add3A_257 : i32 to index
        %get3A_259 = arith.constant 16 : index
        %get3A_260 = tpu.vector_load %arg9[%get3A_258, %get3A_259] {strides = array<i32>} : memref<200x128xf32, #tpu.memory_space<vmem>>, vector<1x16xf32>,
        %get3A_261 = vector.shape_cast %get3A_260 : vector<1x16xf32> to vector<16xf32>
        %mul3A_262 = arith.constant 8.000000e+00 : f32
        %mul3A_263 = vector.broadcast %mul3A_262 : f32 to vector<16xf32>
        %mul3A_264 = arith.mulf %get3A_261, %mul3A_263 : vector<16xf32>
        %mul3A_265 = arith.constant 4 : i32
        %mul3A_266 = arith.muli %scan3A_235, %mul3A_265 : i32
        %add3A_267 = arith.constant 0 : i32
        %add3A_268 = arith.addi %mul3A_266, %add3A_267 : i32
        %swap3A_269 = arith.index_cast %add3A_268 : i32 to index
        %swap3A_270 = arith.constant 16 : index
        %swap3A_271 = tpu.vector_load %arg9[%swap3A_269, %swap3A_270] {strides = array<i32>} : memref<200x128xf32, #tpu.memory_space<vmem>>, vector<1x16xf32>,
        %swap3A_272 = vector.shape_cast %swap3A_271 : vector<1x16xf32> to vector<16xf32>
        %swap3A_273 = vector.shape_cast %mul3A_264 : vector<16xf32> to vector<1x16xf32>
        tpu.vector_store %arg9[%swap3A_269, %swap3A_270], %swap3A_273 {strides = array<i32>} : memref<200x128xf32, #tpu.memory_space<vmem>>, vector<1x16xf32>,
        %mul3A_274 = arith.constant 4 : i32
        %mul3A_275 = arith.muli %scan3A_235, %mul3A_274 : i32
        %add3A_276 = arith.constant 0 : i32
        %add3A_277 = arith.addi %mul3A_275, %add3A_276 : i32
        %get3A_278 = arith.index_cast %add3A_277 : i32 to index
        %get3A_279 = arith.constant 32 : index
        %get3A_280 = tpu.vector_load %arg9[%get3A_278, %get3A_279] {strides = array<i32>} : memref<200x128xf32, #tpu.memory_space<vmem>>, vector<1x16xf32>,
        %get3A_281 = vector.shape_cast %get3A_280 : vector<1x16xf32> to vector<16xf32>
        %mul3A_282 = arith.constant 8.000000e+00 : f32
        %mul3A_283 = vector.broadcast %mul3A_282 : f32 to vector<16xf32>
        %mul3A_284 = arith.mulf %get3A_281, %mul3A_283 : vector<16xf32>
        %mul3A_285 = arith.constant 4 : i32
        %mul3A_286 = arith.muli %scan3A_235, %mul3A_285 : i32
        %add3A_287 = arith.constant 0 : i32
        %add3A_288 = arith.addi %mul3A_286, %add3A_287 : i32
        %swap3A_289 = arith.index_cast %add3A_288 : i32 to index
        %swap3A_290 = arith.constant 32 : index
        %swap3A_291 = tpu.vector_load %arg9[%swap3A_289, %swap3A_290] {strides = array<i32>} : memref<200x128xf32, #tpu.memory_space<vmem>>, vector<1x16xf32>,
        %swap3A_292 = vector.shape_cast %swap3A_291 : vector<1x16xf32> to vector<16xf32>
        %swap3A_293 = vector.shape_cast %mul3A_284 : vector<16xf32> to vector<1x16xf32>
        tpu.vector_store %arg9[%swap3A_289, %swap3A_290], %swap3A_293 {strides = array<i32>} : memref<200x128xf32, #tpu.memory_space<vmem>>, vector<1x16xf32>,
        %mul3A_294 = arith.constant 4 : i32
        %mul3A_295 = arith.muli %scan3A_235, %mul3A_294 : i32
        %add3A_296 = arith.constant 0 : i32
        %add3A_297 = arith.addi %mul3A_295, %add3A_296 : i32
        %get3A_298 = arith.index_cast %add3A_297 : i32 to index
        %get3A_299 = arith.constant 48 : index
        %get3A_300 = tpu.vector_load %arg9[%get3A_298, %get3A_299] {strides = array<i32>} : memref<200x128xf32, #tpu.memory_space<vmem>>, vector<1x16xf32>,
        %get3A_301 = vector.shape_cast %get3A_300 : vector<1x16xf32> to vector<16xf32>
        %mul3A_302 = arith.constant 8.000000e+00 : f32
        %mul3A_303 = vector.broadcast %mul3A_302 : f32 to vector<16xf32>
        %mul3A_304 = arith.mulf %get3A_301, %mul3A_303 : vector<16xf32>
        %mul3A_305 = arith.constant 4 : i32
        %mul3A_306 = arith.muli %scan3A_235, %mul3A_305 : i32
        %add3A_307 = arith.constant 0 : i32
        %add3A_308 = arith.addi %mul3A_306, %add3A_307 : i32
        %swap3A_309 = arith.index_cast %add3A_308 : i32 to index
        %swap3A_310 = arith.constant 48 : index
        %swap3A_311 = tpu.vector_load %arg9[%swap3A_309, %swap3A_310] {strides = array<i32>} : memref<200x128xf32, #tpu.memory_space<vmem>>, vector<1x16xf32>,
        %swap3A_312 = vector.shape_cast %swap3A_311 : vector<1x16xf32> to vector<16xf32>
        %swap3A_313 = vector.shape_cast %mul3A_304 : vector<16xf32> to vector<1x16xf32>
        tpu.vector_store %arg9[%swap3A_309, %swap3A_310], %swap3A_313 {strides = array<i32>} : memref<200x128xf32, #tpu.memory_space<vmem>>, vector<1x16xf32>,
        %mul3A_314 = arith.constant 4 : i32
        %mul3A_315 = arith.muli %scan3A_235, %mul3A_314 : i32
        %add3A_316 = arith.constant 1 : i32
        %add3A_317 = arith.addi %mul3A_315, %add3A_316 : i32
        %get3A_318 = arith.index_cast %add3A_317 : i32 to index
        %get3A_319 = arith.constant 0 : index
        %get3A_320 = tpu.vector_load %arg9[%get3A_318, %get3A_319] {strides = array<i32>} : memref<200x128xf32, #tpu.memory_space<vmem>>, vector<1x16xf32>,
        %get3A_321 = vector.shape_cast %get3A_320 : vector<1x16xf32> to vector<16xf32>
        %mul3A_322 = arith.constant 8.000000e+00 : f32
        %mul3A_323 = vector.broadcast %mul3A_322 : f32 to vector<16xf32>
        %mul3A_324 = arith.mulf %get3A_321, %mul3A_323 : vector<16xf32>
        %mul3A_325 = arith.constant 4 : i32
        %mul3A_326 = arith.muli %scan3A_235, %mul3A_325 : i32
        %add3A_327 = arith.constant 1 : i32
        %add3A_328 = arith.addi %mul3A_326, %add3A_327 : i32
        %swap3A_329 = arith.index_cast %add3A_328 : i32 to index
        %swap3A_330 = arith.constant 0 : index
        %swap3A_331 = tpu.vector_load %arg9[%swap3A_329, %swap3A_330] {strides = array<i32>} : memref<200x128xf32, #tpu.memory_space<vmem>>, vector<1x16xf32>,
        %swap3A_332 = vector.shape_cast %swap3A_331 : vector<1x16xf32> to vector<16xf32>
        %swap3A_333 = vector.shape_cast %mul3A_324 : vector<16xf32> to vector<1x16xf32>
        tpu.vector_store %arg9[%swap3A_329, %swap3A_330], %swap3A_333 {strides = array<i32>} : memref<200x128xf32, #tpu.memory_space<vmem>>, vector<1x16xf32>,
        %mul3A_334 = arith.constant 4 : i32
        %mul3A_335 = arith.muli %scan3A_235, %mul3A_334 : i32
        %add3A_336 = arith.constant 1 : i32
        %add3A_337 = arith.addi %mul3A_335, %add3A_336 : i32
        %get3A_338 = arith.index_cast %add3A_337 : i32 to index
        %get3A_339 = arith.constant 16 : index
        %get3A_340 = tpu.vector_load %arg9[%get3A_338, %get3A_339] {strides = array<i32>} : memref<200x128xf32, #tpu.memory_space<vmem>>, vector<1x16xf32>,
        %get3A_341 = vector.shape_cast %get3A_340 : vector<1x16xf32> to vector<16xf32>
        %mul3A_342 = arith.constant 8.000000e+00 : f32
        %mul3A_343 = vector.broadcast %mul3A_342 : f32 to vector<16xf32>
        %mul3A_344 = arith.mulf %get3A_341, %mul3A_343 : vector<16xf32>
        %mul3A_345 = arith.constant 4 : i32
        %mul3A_346 = arith.muli %scan3A_235, %mul3A_345 : i32
        %add3A_347 = arith.constant 1 : i32
        %add3A_348 = arith.addi %mul3A_346, %add3A_347 : i32
        %swap3A_349 = arith.index_cast %add3A_348 : i32 to index
        %swap3A_350 = arith.constant 16 : index
        %swap3A_351 = tpu.vector_load %arg9[%swap3A_349, %swap3A_350] {strides = array<i32>} : memref<200x128xf32, #tpu.memory_space<vmem>>, vector<1x16xf32>,
        %swap3A_352 = vector.shape_cast %swap3A_351 : vector<1x16xf32> to vector<16xf32>
        %swap3A_353 = vector.shape_cast %mul3A_344 : vector<16xf32> to vector<1x16xf32>
        tpu.vector_store %arg9[%swap3A_349, %swap3A_350], %swap3A_353 {strides = array<i32>} : memref<200x128xf32, #tpu.memory_space<vmem>>, vector<1x16xf32>,
        %mul3A_354 = arith.constant 4 : i32
        %mul3A_355 = arith.muli %scan3A_235, %mul3A_354 : i32
        %add3A_356 = arith.constant 1 : i32
        %add3A_357 = arith.addi %mul3A_355, %add3A_356 : i32
        %get3A_358 = arith.index_cast %add3A_357 : i32 to index
        %get3A_359 = arith.constant 32 : index
        %get3A_360 = tpu.vector_load %arg9[%get3A_358, %get3A_359] {strides = array<i32>} : memref<200x128xf32, #tpu.memory_space<vmem>>, vector<1x16xf32>,
        %get3A_361 = vector.shape_cast %get3A_360 : vector<1x16xf32> to vector<16xf32>
        %mul3A_362 = arith.constant 8.000000e+00 : f32
        %mul3A_363 = vector.broadcast %mul3A_362 : f32 to vector<16xf32>
        %mul3A_364 = arith.mulf %get3A_361, %mul3A_363 : vector<16xf32>
        %mul3A_365 = arith.constant 4 : i32
        %mul3A_366 = arith.muli %scan3A_235, %mul3A_365 : i32
        %add3A_367 = arith.constant 1 : i32
        %add3A_368 = arith.addi %mul3A_366, %add3A_367 : i32
        %swap3A_369 = arith.index_cast %add3A_368 : i32 to index
        %swap3A_370 = arith.constant 32 : index
        %swap3A_371 = tpu.vector_load %arg9[%swap3A_369, %swap3A_370] {strides = array<i32>} : memref<200x128xf32, #tpu.memory_space<vmem>>, vector<1x16xf32>,
        %swap3A_372 = vector.shape_cast %swap3A_371 : vector<1x16xf32> to vector<16xf32>
        %swap3A_373 = vector.shape_cast %mul3A_364 : vector<16xf32> to vector<1x16xf32>
        tpu.vector_store %arg9[%swap3A_369, %swap3A_370], %swap3A_373 {strides = array<i32>} : memref<200x128xf32, #tpu.memory_space<vmem>>, vector<1x16xf32>,
        %mul3A_374 = arith.constant 4 : i32
        %mul3A_375 = arith.muli %scan3A_235, %mul3A_374 : i32
        %add3A_376 = arith.constant 1 : i32
        %add3A_377 = arith.addi %mul3A_375, %add3A_376 : i32
        %get3A_378 = arith.index_cast %add3A_377 : i32 to index
        %get3A_379 = arith.constant 48 : index
        %get3A_380 = tpu.vector_load %arg9[%get3A_378, %get3A_379] {strides = array<i32>} : memref<200x128xf32, #tpu.memory_space<vmem>>, vector<1x16xf32>,
        %get3A_381 = vector.shape_cast %get3A_380 : vector<1x16xf32> to vector<16xf32>
        %mul3A_382 = arith.constant 8.000000e+00 : f32
        %mul3A_383 = vector.broadcast %mul3A_382 : f32 to vector<16xf32>
        %mul3A_384 = arith.mulf %get3A_381, %mul3A_383 : vector<16xf32>
        %mul3A_385 = arith.constant 4 : i32
        %mul3A_386 = arith.muli %scan3A_235, %mul3A_385 : i32
        %add3A_387 = arith.constant 1 : i32
        %add3A_388 = arith.addi %mul3A_386, %add3A_387 : i32
        %swap3A_389 = arith.index_cast %add3A_388 : i32 to index
        %swap3A_390 = arith.constant 48 : index
        %swap3A_391 = tpu.vector_load %arg9[%swap3A_389, %swap3A_390] {strides = array<i32>} : memref<200x128xf32, #tpu.memory_space<vmem>>, vector<1x16xf32>,
        %swap3A_392 = vector.shape_cast %swap3A_391 : vector<1x16xf32> to vector<16xf32>
        %swap3A_393 = vector.shape_cast %mul3A_384 : vector<16xf32> to vector<1x16xf32>
        tpu.vector_store %arg9[%swap3A_389, %swap3A_390], %swap3A_393 {strides = array<i32>} : memref<200x128xf32, #tpu.memory_space<vmem>>, vector<1x16xf32>,
        %mul3A_394 = arith.constant 4 : i32
        %mul3A_395 = arith.muli %scan3A_235, %mul3A_394 : i32
        %add3A_396 = arith.constant 2 : i32
        %add3A_397 = arith.addi %mul3A_395, %add3A_396 : i32
        %get3A_398 = arith.index_cast %add3A_397 : i32 to index
        %get3A_399 = arith.constant 0 : index
        %get3A_400 = tpu.vector_load %arg9[%get3A_398, %get3A_399] {strides = array<i32>} : memref<200x128xf32, #tpu.memory_space<vmem>>, vector<1x16xf32>,
        %get3A_401 = vector.shape_cast %get3A_400 : vector<1x16xf32> to vector<16xf32>
        %mul3A_402 = arith.constant 8.000000e+00 : f32
        %mul3A_403 = vector.broadcast %mul3A_402 : f32 to vector<16xf32>
        %mul3A_404 = arith.mulf %get3A_401, %mul3A_403 : vector<16xf32>
        %mul3A_405 = arith.constant 4 : i32
        %mul3A_406 = arith.muli %scan3A_235, %mul3A_405 : i32
        %add3A_407 = arith.constant 2 : i32
        %add3A_408 = arith.addi %mul3A_406, %add3A_407 : i32
        %swap3A_409 = arith.index_cast %add3A_408 : i32 to index
        %swap3A_410 = arith.constant 0 : index
        %swap3A_411 = tpu.vector_load %arg9[%swap3A_409, %swap3A_410] {strides = array<i32>} : memref<200x128xf32, #tpu.memory_space<vmem>>, vector<1x16xf32>,
        %swap3A_412 = vector.shape_cast %swap3A_411 : vector<1x16xf32> to vector<16xf32>
        %swap3A_413 = vector.shape_cast %mul3A_404 : vector<16xf32> to vector<1x16xf32>
        tpu.vector_store %arg9[%swap3A_409, %swap3A_410], %swap3A_413 {strides = array<i32>} : memref<200x128xf32, #tpu.memory_space<vmem>>, vector<1x16xf32>,
        %mul3A_414 = arith.constant 4 : i32
        %mul3A_415 = arith.muli %scan3A_235, %mul3A_414 : i32
        %add3A_416 = arith.constant 2 : i32
        %add3A_417 = arith.addi %mul3A_415, %add3A_416 : i32
        %get3A_418 = arith.index_cast %add3A_417 : i32 to index
        %get3A_419 = arith.constant 16 : index
        %get3A_420 = tpu.vector_load %arg9[%get3A_418, %get3A_419] {strides = array<i32>} : memref<200x128xf32, #tpu.memory_space<vmem>>, vector<1x16xf32>,
        %get3A_421 = vector.shape_cast %get3A_420 : vector<1x16xf32> to vector<16xf32>
        %mul3A_422 = arith.constant 8.000000e+00 : f32
        %mul3A_423 = vector.broadcast %mul3A_422 : f32 to vector<16xf32>
        %mul3A_424 = arith.mulf %get3A_421, %mul3A_423 : vector<16xf32>
        %mul3A_425 = arith.constant 4 : i32
        %mul3A_426 = arith.muli %scan3A_235, %mul3A_425 : i32
        %add3A_427 = arith.constant 2 : i32
        %add3A_428 = arith.addi %mul3A_426, %add3A_427 : i32
        %swap3A_429 = arith.index_cast %add3A_428 : i32 to index
        %swap3A_430 = arith.constant 16 : index
        %swap3A_431 = tpu.vector_load %arg9[%swap3A_429, %swap3A_430] {strides = array<i32>} : memref<200x128xf32, #tpu.memory_space<vmem>>, vector<1x16xf32>,
        %swap3A_432 = vector.shape_cast %swap3A_431 : vector<1x16xf32> to vector<16xf32>
        %swap3A_433 = vector.shape_cast %mul3A_424 : vector<16xf32> to vector<1x16xf32>
        tpu.vector_store %arg9[%swap3A_429, %swap3A_430], %swap3A_433 {strides = array<i32>} : memref<200x128xf32, #tpu.memory_space<vmem>>, vector<1x16xf32>,
        %mul3A_434 = arith.constant 4 : i32
        %mul3A_435 = arith.muli %scan3A_235, %mul3A_434 : i32
        %add3A_436 = arith.constant 2 : i32
        %add3A_437 = arith.addi %mul3A_435, %add3A_436 : i32
        %get3A_438 = arith.index_cast %add3A_437 : i32 to index
        %get3A_439 = arith.constant 32 : index
        %get3A_440 = tpu.vector_load %arg9[%get3A_438, %get3A_439] {strides = array<i32>} : memref<200x128xf32, #tpu.memory_space<vmem>>, vector<1x16xf32>,
        %get3A_441 = vector.shape_cast %get3A_440 : vector<1x16xf32> to vector<16xf32>
        %mul3A_442 = arith.constant 8.000000e+00 : f32
        %mul3A_443 = vector.broadcast %mul3A_442 : f32 to vector<16xf32>
        %mul3A_444 = arith.mulf %get3A_441, %mul3A_443 : vector<16xf32>
        %mul3A_445 = arith.constant 4 : i32
        %mul3A_446 = arith.muli %scan3A_235, %mul3A_445 : i32
        %add3A_447 = arith.constant 2 : i32
        %add3A_448 = arith.addi %mul3A_446, %add3A_447 : i32
        %swap3A_449 = arith.index_cast %add3A_448 : i32 to index
        %swap3A_450 = arith.constant 32 : index
        %swap3A_451 = tpu.vector_load %arg9[%swap3A_449, %swap3A_450] {strides = array<i32>} : memref<200x128xf32, #tpu.memory_space<vmem>>, vector<1x16xf32>,
        %swap3A_452 = vector.shape_cast %swap3A_451 : vector<1x16xf32> to vector<16xf32>
        %swap3A_453 = vector.shape_cast %mul3A_444 : vector<16xf32> to vector<1x16xf32>
        tpu.vector_store %arg9[%swap3A_449, %swap3A_450], %swap3A_453 {strides = array<i32>} : memref<200x128xf32, #tpu.memory_space<vmem>>, vector<1x16xf32>,
        %mul3A_454 = arith.constant 4 : i32
        %mul3A_455 = arith.muli %scan3A_235, %mul3A_454 : i32
        %add3A_456 = arith.constant 2 : i32
        %add3A_457 = arith.addi %mul3A_455, %add3A_456 : i32
        %get3A_458 = arith.index_cast %add3A_457 : i32 to index
        %get3A_459 = arith.constant 48 : index
        %get3A_460 = tpu.vector_load %arg9[%get3A_458, %get3A_459] {strides = array<i32>} : memref<200x128xf32, #tpu.memory_space<vmem>>, vector<1x16xf32>,
        %get3A_461 = vector.shape_cast %get3A_460 : vector<1x16xf32> to vector<16xf32>
        %mul3A_462 = arith.constant 8.000000e+00 : f32
        %mul3A_463 = vector.broadcast %mul3A_462 : f32 to vector<16xf32>
        %mul3A_464 = arith.mulf %get3A_461, %mul3A_463 : vector<16xf32>
        %mul3A_465 = arith.constant 4 : i32
        %mul3A_466 = arith.muli %scan3A_235, %mul3A_465 : i32
        %add3A_467 = arith.constant 2 : i32
        %add3A_468 = arith.addi %mul3A_466, %add3A_467 : i32
        %swap3A_469 = arith.index_cast %add3A_468 : i32 to index
        %swap3A_470 = arith.constant 48 : index
        %swap3A_471 = tpu.vector_load %arg9[%swap3A_469, %swap3A_470] {strides = array<i32>} : memref<200x128xf32, #tpu.memory_space<vmem>>, vector<1x16xf32>,
        %swap3A_472 = vector.shape_cast %swap3A_471 : vector<1x16xf32> to vector<16xf32>
        %swap3A_473 = vector.shape_cast %mul3A_464 : vector<16xf32> to vector<1x16xf32>
        tpu.vector_store %arg9[%swap3A_469, %swap3A_470], %swap3A_473 {strides = array<i32>} : memref<200x128xf32, #tpu.memory_space<vmem>>, vector<1x16xf32>,
        %mul3A_474 = arith.constant 4 : i32
        %mul3A_475 = arith.muli %scan3A_235, %mul3A_474 : i32
        %add3A_476 = arith.constant 3 : i32
        %add3A_477 = arith.addi %mul3A_475, %add3A_476 : i32
        %get3A_478 = arith.index_cast %add3A_477 : i32 to index
        %get3A_479 = arith.constant 0 : index
        %get3A_480 = tpu.vector_load %arg9[%get3A_478, %get3A_479] {strides = array<i32>} : memref<200x128xf32, #tpu.memory_space<vmem>>, vector<1x16xf32>,
        %get3A_481 = vector.shape_cast %get3A_480 : vector<1x16xf32> to vector<16xf32>
        %mul3A_482 = arith.constant 8.000000e+00 : f32
        %mul3A_483 = vector.broadcast %mul3A_482 : f32 to vector<16xf32>
        %mul3A_484 = arith.mulf %get3A_481, %mul3A_483 : vector<16xf32>
        %mul3A_485 = arith.constant 4 : i32
        %mul3A_486 = arith.muli %scan3A_235, %mul3A_485 : i32
        %add3A_487 = arith.constant 3 : i32
        %add3A_488 = arith.addi %mul3A_486, %add3A_487 : i32
        %swap3A_489 = arith.index_cast %add3A_488 : i32 to index
        %swap3A_490 = arith.constant 0 : index
        %swap3A_491 = tpu.vector_load %arg9[%swap3A_489, %swap3A_490] {strides = array<i32>} : memref<200x128xf32, #tpu.memory_space<vmem>>, vector<1x16xf32>,
        %swap3A_492 = vector.shape_cast %swap3A_491 : vector<1x16xf32> to vector<16xf32>
        %swap3A_493 = vector.shape_cast %mul3A_484 : vector<16xf32> to vector<1x16xf32>
        tpu.vector_store %arg9[%swap3A_489, %swap3A_490], %swap3A_493 {strides = array<i32>} : memref<200x128xf32, #tpu.memory_space<vmem>>, vector<1x16xf32>,
        %mul3A_494 = arith.constant 4 : i32
        %mul3A_495 = arith.muli %scan3A_235, %mul3A_494 : i32
        %add3A_496 = arith.constant 3 : i32
        %add3A_497 = arith.addi %mul3A_495, %add3A_496 : i32
        %get3A_498 = arith.index_cast %add3A_497 : i32 to index
        %get3A_499 = arith.constant 16 : index
        %get3A_500 = tpu.vector_load %arg9[%get3A_498, %get3A_499] {strides = array<i32>} : memref<200x128xf32, #tpu.memory_space<vmem>>, vector<1x16xf32>,
        %get3A_501 = vector.shape_cast %get3A_500 : vector<1x16xf32> to vector<16xf32>
        %mul3A_502 = arith.constant 8.000000e+00 : f32
        %mul3A_503 = vector.broadcast %mul3A_502 : f32 to vector<16xf32>
        %mul3A_504 = arith.mulf %get3A_501, %mul3A_503 : vector<16xf32>
        %mul3A_505 = arith.constant 4 : i32
        %mul3A_506 = arith.muli %scan3A_235, %mul3A_505 : i32
        %add3A_507 = arith.constant 3 : i32
        %add3A_508 = arith.addi %mul3A_506, %add3A_507 : i32
        %swap3A_509 = arith.index_cast %add3A_508 : i32 to index
        %swap3A_510 = arith.constant 16 : index
        %swap3A_511 = tpu.vector_load %arg9[%swap3A_509, %swap3A_510] {strides = array<i32>} : memref<200x128xf32, #tpu.memory_space<vmem>>, vector<1x16xf32>,
        %swap3A_512 = vector.shape_cast %swap3A_511 : vector<1x16xf32> to vector<16xf32>
        %swap3A_513 = vector.shape_cast %mul3A_504 : vector<16xf32> to vector<1x16xf32>
        tpu.vector_store %arg9[%swap3A_509, %swap3A_510], %swap3A_513 {strides = array<i32>} : memref<200x128xf32, #tpu.memory_space<vmem>>, vector<1x16xf32>,
        %mul3A_514 = arith.constant 4 : i32
        %mul3A_515 = arith.muli %scan3A_235, %mul3A_514 : i32
        %add3A_516 = arith.constant 3 : i32
        %add3A_517 = arith.addi %mul3A_515, %add3A_516 : i32
        %get3A_518 = arith.index_cast %add3A_517 : i32 to index
        %get3A_519 = arith.constant 32 : index
        %get3A_520 = tpu.vector_load %arg9[%get3A_518, %get3A_519] {strides = array<i32>} : memref<200x128xf32, #tpu.memory_space<vmem>>, vector<1x16xf32>,
        %get3A_521 = vector.shape_cast %get3A_520 : vector<1x16xf32> to vector<16xf32>
        %mul3A_522 = arith.constant 8.000000e+00 : f32
        %mul3A_523 = vector.broadcast %mul3A_522 : f32 to vector<16xf32>
        %mul3A_524 = arith.mulf %get3A_521, %mul3A_523 : vector<16xf32>
        %mul3A_525 = arith.constant 4 : i32
        %mul3A_526 = arith.muli %scan3A_235, %mul3A_525 : i32
        %add3A_527 = arith.constant 3 : i32
        %add3A_528 = arith.addi %mul3A_526, %add3A_527 : i32
        %swap3A_529 = arith.index_cast %add3A_528 : i32 to index
        %swap3A_530 = arith.constant 32 : index
        %swap3A_531 = tpu.vector_load %arg9[%swap3A_529, %swap3A_530] {strides = array<i32>} : memref<200x128xf32, #tpu.memory_space<vmem>>, vector<1x16xf32>,
        %swap3A_532 = vector.shape_cast %swap3A_531 : vector<1x16xf32> to vector<16xf32>
        %swap3A_533 = vector.shape_cast %mul3A_524 : vector<16xf32> to vector<1x16xf32>
        tpu.vector_store %arg9[%swap3A_529, %swap3A_530], %swap3A_533 {strides = array<i32>} : memref<200x128xf32, #tpu.memory_space<vmem>>, vector<1x16xf32>,
        %mul3A_534 = arith.constant 4 : i32
        %mul3A_535 = arith.muli %scan3A_235, %mul3A_534 : i32
        %add3A_536 = arith.constant 3 : i32
        %add3A_537 = arith.addi %mul3A_535, %add3A_536 : i32
        %get3A_538 = arith.index_cast %add3A_537 : i32 to index
        %get3A_539 = arith.constant 48 : index
        %get3A_540 = tpu.vector_load %arg9[%get3A_538, %get3A_539] {strides = array<i32>} : memref<200x128xf32, #tpu.memory_space<vmem>>, vector<1x16xf32>,
        %get3A_541 = vector.shape_cast %get3A_540 : vector<1x16xf32> to vector<16xf32>
        %mul3A_542 = arith.constant 8.000000e+00 : f32
        %mul3A_543 = vector.broadcast %mul3A_542 : f32 to vector<16xf32>
        %mul3A_544 = arith.mulf %get3A_541, %mul3A_543 : vector<16xf32>
        %mul3A_545 = arith.constant 4 : i32
        %mul3A_546 = arith.muli %scan3A_235, %mul3A_545 : i32
        %add3A_547 = arith.constant 3 : i32
        %add3A_548 = arith.addi %mul3A_546, %add3A_547 : i32
        %swap3A_549 = arith.index_cast %add3A_548 : i32 to index
        %swap3A_550 = arith.constant 48 : index
        %swap3A_551 = tpu.vector_load %arg9[%swap3A_549, %swap3A_550] {strides = array<i32>} : memref<200x128xf32, #tpu.memory_space<vmem>>, vector<1x16xf32>,
        %swap3A_552 = vector.shape_cast %swap3A_551 : vector<1x16xf32> to vector<16xf32>
        %swap3A_553 = vector.shape_cast %mul3A_544 : vector<16xf32> to vector<1x16xf32>
        tpu.vector_store %arg9[%swap3A_549, %swap3A_550], %swap3A_553 {strides = array<i32>} : memref<200x128xf32, #tpu.memory_space<vmem>>, vector<1x16xf32>,
      }
      %scan3A_124 = arith.constant 50 : i32
      %dma_start3A_125 = arith.constant 0 : i32
      %dma_start3A_126 = arith.constant 0 : i32
      %dma_start3A_127 = tpu.memref_slice %arg4[%add3A_106, %dma_start3A_125, %dma_start3A_126] : memref<4096x200x128xf32, #tpu.memory_space<hbm>> -> memref<1x200x128xf32, #tpu.memory_space<hbm>>
      %dma_start3A_128 = tpu.memref_squeeze %dma_start3A_127 : memref<1x200x128xf32, #tpu.memory_space<hbm>> -> memref<200x128xf32, #tpu.memory_space<hbm>>
      %dma_start3A_129 = arith.constant 0 : i32
      %dma_start3A_130 = arith.constant 0 : i32
      %dma_start3A_131 = tpu.memref_slice %arg4[%add3A_106, %dma_start3A_129, %dma_start3A_130] : memref<4096x200x128xf32, #tpu.memory_space<hbm>> -> memref<1x200x128xf32, #tpu.memory_space<hbm>>
      %dma_start3A_132 = tpu.memref_squeeze %dma_start3A_131 : memref<1x200x128xf32, #tpu.memory_space<hbm>> -> memref<200x128xf32, #tpu.memory_space<hbm>>
      tpu.enqueue_dma source(%arg9 : memref<200x128xf32, #tpu.memory_space<vmem>>) target(%dma_start3A_132 : memref<200x128xf32, #tpu.memory_space<hbm>>) target_semaphore(%arg17 : memref<!tpu.dma_semaphore, #tpu.memory_space<semaphore_mem>>)
      %mul3A_133 = arith.constant 4 : i32
      %mul3A_134 = arith.muli %scan3A_101, %mul3A_133 : i32
      %add3A_135 = arith.constant 1 : i32
      %add3A_136 = arith.addi %mul3A_134, %add3A_135 : i32
      %add3A_137 = arith.addi %mul3A_2, %add3A_136 : i32
      %add3A_138 = arith.constant 2 : i32
      %add3A_139 = arith.addi %add3A_136, %add3A_138 : i32
      %lt3A_140 = arith.constant 128 : i32
      %lt3A_141 = arith.cmpi slt, %add3A_139, %lt3A_140 : i32
      %convert_element_type3A_142 = arith.extui %lt3A_141 : i1 to i32
      %cond3A_143 = arith.constant 0 : i32
      %cond3A_144 = arith.cmpi ne, %convert_element_type3A_142, %cond3A_143 : i32
      scf.if %cond3A_144 {
        %ge3A = arith.constant 2 : i32
        %ge3A_235 = arith.cmpi sge, %add3A_136, %ge3A : i32
        %convert_element_type3A_236 = arith.extui %ge3A_235 : i1 to i32
        %cond3A_237 = arith.constant 0 : i32
        %cond3A_238 = arith.cmpi ne, %convert_element_type3A_236, %cond3A_237 : i32
        scf.if %cond3A_238 {
          %sub3A_259 = arith.constant 2 : i32
          %sub3A_260 = arith.subi %add3A_137, %sub3A_259 : i32
          %dma_wait3A_261 = arith.constant 0 : i32
          %dma_wait3A_262 = arith.constant 0 : i32
          %dma_wait3A_263 = tpu.memref_slice %arg4[%sub3A_260, %dma_wait3A_261, %dma_wait3A_262] : memref<4096x200x128xf32, #tpu.memory_space<hbm>> -> memref<1x200x128xf32, #tpu.memory_space<hbm>>
          %dma_wait3A_264 = tpu.memref_squeeze %dma_wait3A_263 : memref<1x200x128xf32, #tpu.memory_space<hbm>> -> memref<200x128xf32, #tpu.memory_space<hbm>>
          %dma_wait3A_265 = arith.constant 0 : i32
          %dma_wait3A_266 = arith.constant 0 : i32
          %dma_wait3A_267 = tpu.memref_slice %arg4[%sub3A_260, %dma_wait3A_265, %dma_wait3A_266] : memref<4096x200x128xf32, #tpu.memory_space<hbm>> -> memref<1x200x128xf32, #tpu.memory_space<hbm>>
          %dma_wait3A_268 = tpu.memref_squeeze %dma_wait3A_267 : memref<1x200x128xf32, #tpu.memory_space<hbm>> -> memref<200x128xf32, #tpu.memory_space<hbm>>
          tpu.wait_dma2 semaphore(%arg20 : memref<!tpu.dma_semaphore, #tpu.memory_space<semaphore_mem>>) src(%arg12 : memref<200x128xf32, #tpu.memory_space<vmem>>) dst(%dma_wait3A_268 : memref<200x128xf32, #tpu.memory_space<hbm>>)
        } else {
        }
        %add3A_239 = arith.constant 2 : i32
        %add3A_240 = arith.addi %add3A_137, %add3A_239 : i32
        %mul3A_241 = arith.constant 200 : i32
        %mul3A_242 = arith.muli %add3A_240, %mul3A_241 : i32
        "tpu.region"() ({
          %run_scoped3A = tpu.sem_alloc : memref<!tpu.dma_semaphore, #tpu.memory_space<semaphore_mem>>
          %dma_start3A_259 = tpu.memref_slice %arg2[%mul3A_242] : memref<819200xi32, #tpu.memory_space<hbm>> -> memref<200xi32, #tpu.memory_space<hbm>>
          %dma_start3A_260 = tpu.memref_slice %arg2[%mul3A_242] : memref<819200xi32, #tpu.memory_space<hbm>> -> memref<200xi32, #tpu.memory_space<hbm>>
          tpu.enqueue_dma source(%dma_start3A_260 : memref<200xi32, #tpu.memory_space<hbm>>) target(%arg8 : memref<200xi32, #tpu.memory_space<vmem>>) target_semaphore(%run_scoped3A : memref<!tpu.dma_semaphore, #tpu.memory_space<semaphore_mem>>)
          %dma_wait3A_261 = tpu.memref_slice %arg2[%mul3A_242] : memref<819200xi32, #tpu.memory_space<hbm>> -> memref<200xi32, #tpu.memory_space<hbm>>
          %dma_wait3A_262 = tpu.memref_slice %arg2[%mul3A_242] : memref<819200xi32, #tpu.memory_space<hbm>> -> memref<200xi32, #tpu.memory_space<hbm>>
          tpu.wait_dma2 semaphore(%run_scoped3A : memref<!tpu.dma_semaphore, #tpu.memory_space<semaphore_mem>>) src(%dma_wait3A_262 : memref<200xi32, #tpu.memory_space<hbm>>) dst(%arg8 : memref<200xi32, #tpu.memory_space<vmem>>)
          tpu.yield
        }) : () -> ()
        %dma_start3A_243 = arith.constant 0 : i32
        %dma_start3A_244 = arith.constant 0 : i32
        %dma_start3A_245 = tpu.memref_slice %arg12[%dma_start3A_243, %dma_start3A_244] : memref<200x128xf32, #tpu.memory_space<vmem>> -> memref<128x128xf32, #tpu.memory_space<vmem>>
        %dma_start3A_246 = arith.constant 0 : i32
        %dma_start3A_247 = tpu.memref_slice %arg8[%dma_start3A_246] : memref<200xi32, #tpu.memory_space<vmem>> -> memref<128xi32, #tpu.memory_space<vmem>>
        %dma_start3A_248 = arith.constant 0 : i32
        %dma_start3A_249 = arith.constant 0 : i32
        %dma_start3A_250 = tpu.memref_slice %arg3[%dma_start3A_248, %dma_start3A_249] : memref<1000000x128xf32, #tpu.memory_space<hbm>> -> memref<1000000x128xf32, #tpu.memory_space<hbm>>
        tpu.enqueue_indirect_dma source(%dma_start3A_250 : memref<1000000x128xf32, #tpu.memory_space<hbm>>) target(%dma_start3A_245 : memref<128x128xf32, #tpu.memory_space<vmem>>) offsets(%dma_start3A_247 : memref<128xi32, #tpu.memory_space<vmem>>) semaphore(%arg16 : memref<!tpu.dma_semaphore, #tpu.memory_space<semaphore_mem>>)
        %dma_start3A_251 = arith.constant 128 : i32
        %dma_start3A_252 = arith.constant 0 : i32
        %dma_start3A_253 = tpu.memref_slice %arg12[%dma_start3A_251, %dma_start3A_252] : memref<200x128xf32, #tpu.memory_space<vmem>> -> memref<72x128xf32, #tpu.memory_space<vmem>>
        %dma_start3A_254 = arith.constant 128 : i32
        %dma_start3A_255 = tpu.memref_slice %arg8[%dma_start3A_254] : memref<200xi32, #tpu.memory_space<vmem>> -> memref<72xi32, #tpu.memory_space<vmem>>
        %dma_start3A_256 = arith.constant 0 : i32
        %dma_start3A_257 = arith.constant 0 : i32
        %dma_start3A_258 = tpu.memref_slice %arg3[%dma_start3A_256, %dma_start3A_257] : memref<1000000x128xf32, #tpu.memory_space<hbm>> -> memref<1000000x128xf32, #tpu.memory_space<hbm>>
        tpu.enqueue_indirect_dma source(%dma_start3A_258 : memref<1000000x128xf32, #tpu.memory_space<hbm>>) target(%dma_start3A_253 : memref<72x128xf32, #tpu.memory_space<vmem>>) offsets(%dma_start3A_255 : memref<72xi32, #tpu.memory_space<vmem>>) semaphore(%arg16 : memref<!tpu.dma_semaphore, #tpu.memory_space<semaphore_mem>>)
      } else {
      }
      %dma_wait3A_145 = arith.constant 0 : i32
      %dma_wait3A_146 = arith.constant 0 : i32
      %dma_wait3A_147 = tpu.memref_slice %arg4[%add3A_137, %dma_wait3A_145, %dma_wait3A_146] : memref<4096x200x128xf32, #tpu.memory_space<hbm>> -> memref<1x200x128xf32, #tpu.memory_space<hbm>>
      %dma_wait3A_148 = tpu.memref_squeeze %dma_wait3A_147 : memref<1x200x128xf32, #tpu.memory_space<hbm>> -> memref<200x128xf32, #tpu.memory_space<hbm>>
      %dma_wait3A_149 = arith.constant 0 : i32
      %dma_wait3A_150 = arith.constant 0 : i32
      %dma_wait3A_151 = tpu.memref_slice %arg4[%add3A_137, %dma_wait3A_149, %dma_wait3A_150] : memref<4096x200x128xf32, #tpu.memory_space<hbm>> -> memref<1x200x128xf32, #tpu.memory_space<hbm>>
      %dma_wait3A_152 = tpu.memref_squeeze %dma_wait3A_151 : memref<1x200x128xf32, #tpu.memory_space<hbm>> -> memref<200x128xf32, #tpu.memory_space<hbm>>
      tpu.wait_dma2 semaphore(%arg14 : memref<!tpu.dma_semaphore, #tpu.memory_space<semaphore_mem>>) src(%dma_wait3A_152 : memref<200x128xf32, #tpu.memory_space<hbm>>) dst(%arg10 : memref<200x128xf32, #tpu.memory_space<vmem>>)
      %scan3A_153 = arith.constant 0 : i32
      %scan3A_154 = arith.constant 0 : i32
      %scan3A_155 = arith.constant 50 : i32
      %scan3A_156 = arith.addi %scan3A_154, %scan3A_155 : i32
      %scan3A_157 = arith.constant 1 : i32
      scf.for %scan3A_235 = %scan3A_154 to %scan3A_156 step %scan3A_157  : i32 {
        %mul3A_236 = arith.constant 4 : i32
        %mul3A_237 = arith.muli %scan3A_235, %mul3A_236 : i32
        %add3A_238 = arith.constant 0 : i32
        %add3A_239 = arith.addi %mul3A_237, %add3A_238 : i32
        %get3A = arith.index_cast %add3A_239 : i32 to index
        %get3A_240 = arith.constant 0 : index
        %get3A_241 = tpu.vector_load %arg10[%get3A, %get3A_240] {strides = array<i32>} : memref<200x128xf32, #tpu.memory_space<vmem>>, vector<1x16xf32>,
        %get3A_242 = vector.shape_cast %get3A_241 : vector<1x16xf32> to vector<16xf32>
        %mul3A_243 = arith.constant 8.000000e+00 : f32
        %mul3A_244 = vector.broadcast %mul3A_243 : f32 to vector<16xf32>
        %mul3A_245 = arith.mulf %get3A_242, %mul3A_244 : vector<16xf32>
        %mul3A_246 = arith.constant 4 : i32
        %mul3A_247 = arith.muli %scan3A_235, %mul3A_246 : i32
        %add3A_248 = arith.constant 0 : i32
        %add3A_249 = arith.addi %mul3A_247, %add3A_248 : i32
        %swap3A = arith.index_cast %add3A_249 : i32 to index
        %swap3A_250 = arith.constant 0 : index
        %swap3A_251 = tpu.vector_load %arg10[%swap3A, %swap3A_250] {strides = array<i32>} : memref<200x128xf32, #tpu.memory_space<vmem>>, vector<1x16xf32>,
        %swap3A_252 = vector.shape_cast %swap3A_251 : vector<1x16xf32> to vector<16xf32>
        %swap3A_253 = vector.shape_cast %mul3A_245 : vector<16xf32> to vector<1x16xf32>
        tpu.vector_store %arg10[%swap3A, %swap3A_250], %swap3A_253 {strides = array<i32>} : memref<200x128xf32, #tpu.memory_space<vmem>>, vector<1x16xf32>,
        %mul3A_254 = arith.constant 4 : i32
        %mul3A_255 = arith.muli %scan3A_235, %mul3A_254 : i32
        %add3A_256 = arith.constant 0 : i32
        %add3A_257 = arith.addi %mul3A_255, %add3A_256 : i32
        %get3A_258 = arith.index_cast %add3A_257 : i32 to index
        %get3A_259 = arith.constant 16 : index
        %get3A_260 = tpu.vector_load %arg10[%get3A_258, %get3A_259] {strides = array<i32>} : memref<200x128xf32, #tpu.memory_space<vmem>>, vector<1x16xf32>,
        %get3A_261 = vector.shape_cast %get3A_260 : vector<1x16xf32> to vector<16xf32>
        %mul3A_262 = arith.constant 8.000000e+00 : f32
        %mul3A_263 = vector.broadcast %mul3A_262 : f32 to vector<16xf32>
        %mul3A_264 = arith.mulf %get3A_261, %mul3A_263 : vector<16xf32>
        %mul3A_265 = arith.constant 4 : i32
        %mul3A_266 = arith.muli %scan3A_235, %mul3A_265 : i32
        %add3A_267 = arith.constant 0 : i32
        %add3A_268 = arith.addi %mul3A_266, %add3A_267 : i32
        %swap3A_269 = arith.index_cast %add3A_268 : i32 to index
        %swap3A_270 = arith.constant 16 : index
        %swap3A_271 = tpu.vector_load %arg10[%swap3A_269, %swap3A_270] {strides = array<i32>} : memref<200x128xf32, #tpu.memory_space<vmem>>, vector<1x16xf32>,
        %swap3A_272 = vector.shape_cast %swap3A_271 : vector<1x16xf32> to vector<16xf32>
        %swap3A_273 = vector.shape_cast %mul3A_264 : vector<16xf32> to vector<1x16xf32>
        tpu.vector_store %arg10[%swap3A_269, %swap3A_270], %swap3A_273 {strides = array<i32>} : memref<200x128xf32, #tpu.memory_space<vmem>>, vector<1x16xf32>,
        %mul3A_274 = arith.constant 4 : i32
        %mul3A_275 = arith.muli %scan3A_235, %mul3A_274 : i32
        %add3A_276 = arith.constant 0 : i32
        %add3A_277 = arith.addi %mul3A_275, %add3A_276 : i32
        %get3A_278 = arith.index_cast %add3A_277 : i32 to index
        %get3A_279 = arith.constant 32 : index
        %get3A_280 = tpu.vector_load %arg10[%get3A_278, %get3A_279] {strides = array<i32>} : memref<200x128xf32, #tpu.memory_space<vmem>>, vector<1x16xf32>,
        %get3A_281 = vector.shape_cast %get3A_280 : vector<1x16xf32> to vector<16xf32>
        %mul3A_282 = arith.constant 8.000000e+00 : f32
        %mul3A_283 = vector.broadcast %mul3A_282 : f32 to vector<16xf32>
        %mul3A_284 = arith.mulf %get3A_281, %mul3A_283 : vector<16xf32>
        %mul3A_285 = arith.constant 4 : i32
        %mul3A_286 = arith.muli %scan3A_235, %mul3A_285 : i32
        %add3A_287 = arith.constant 0 : i32
        %add3A_288 = arith.addi %mul3A_286, %add3A_287 : i32
        %swap3A_289 = arith.index_cast %add3A_288 : i32 to index
        %swap3A_290 = arith.constant 32 : index
        %swap3A_291 = tpu.vector_load %arg10[%swap3A_289, %swap3A_290] {strides = array<i32>} : memref<200x128xf32, #tpu.memory_space<vmem>>, vector<1x16xf32>,
        %swap3A_292 = vector.shape_cast %swap3A_291 : vector<1x16xf32> to vector<16xf32>
        %swap3A_293 = vector.shape_cast %mul3A_284 : vector<16xf32> to vector<1x16xf32>
        tpu.vector_store %arg10[%swap3A_289, %swap3A_290], %swap3A_293 {strides = array<i32>} : memref<200x128xf32, #tpu.memory_space<vmem>>, vector<1x16xf32>,
        %mul3A_294 = arith.constant 4 : i32
        %mul3A_295 = arith.muli %scan3A_235, %mul3A_294 : i32
        %add3A_296 = arith.constant 0 : i32
        %add3A_297 = arith.addi %mul3A_295, %add3A_296 : i32
        %get3A_298 = arith.index_cast %add3A_297 : i32 to index
        %get3A_299 = arith.constant 48 : index
        %get3A_300 = tpu.vector_load %arg10[%get3A_298, %get3A_299] {strides = array<i32>} : memref<200x128xf32, #tpu.memory_space<vmem>>, vector<1x16xf32>,
        %get3A_301 = vector.shape_cast %get3A_300 : vector<1x16xf32> to vector<16xf32>
        %mul3A_302 = arith.constant 8.000000e+00 : f32
        %mul3A_303 = vector.broadcast %mul3A_302 : f32 to vector<16xf32>
        %mul3A_304 = arith.mulf %get3A_301, %mul3A_303 : vector<16xf32>
        %mul3A_305 = arith.constant 4 : i32
        %mul3A_306 = arith.muli %scan3A_235, %mul3A_305 : i32
        %add3A_307 = arith.constant 0 : i32
        %add3A_308 = arith.addi %mul3A_306, %add3A_307 : i32
        %swap3A_309 = arith.index_cast %add3A_308 : i32 to index
        %swap3A_310 = arith.constant 48 : index
        %swap3A_311 = tpu.vector_load %arg10[%swap3A_309, %swap3A_310] {strides = array<i32>} : memref<200x128xf32, #tpu.memory_space<vmem>>, vector<1x16xf32>,
        %swap3A_312 = vector.shape_cast %swap3A_311 : vector<1x16xf32> to vector<16xf32>
        %swap3A_313 = vector.shape_cast %mul3A_304 : vector<16xf32> to vector<1x16xf32>
        tpu.vector_store %arg10[%swap3A_309, %swap3A_310], %swap3A_313 {strides = array<i32>} : memref<200x128xf32, #tpu.memory_space<vmem>>, vector<1x16xf32>,
        %mul3A_314 = arith.constant 4 : i32
        %mul3A_315 = arith.muli %scan3A_235, %mul3A_314 : i32
        %add3A_316 = arith.constant 1 : i32
        %add3A_317 = arith.addi %mul3A_315, %add3A_316 : i32
        %get3A_318 = arith.index_cast %add3A_317 : i32 to index
        %get3A_319 = arith.constant 0 : index
        %get3A_320 = tpu.vector_load %arg10[%get3A_318, %get3A_319] {strides = array<i32>} : memref<200x128xf32, #tpu.memory_space<vmem>>, vector<1x16xf32>,
        %get3A_321 = vector.shape_cast %get3A_320 : vector<1x16xf32> to vector<16xf32>
        %mul3A_322 = arith.constant 8.000000e+00 : f32
        %mul3A_323 = vector.broadcast %mul3A_322 : f32 to vector<16xf32>
        %mul3A_324 = arith.mulf %get3A_321, %mul3A_323 : vector<16xf32>
        %mul3A_325 = arith.constant 4 : i32
        %mul3A_326 = arith.muli %scan3A_235, %mul3A_325 : i32
        %add3A_327 = arith.constant 1 : i32
        %add3A_328 = arith.addi %mul3A_326, %add3A_327 : i32
        %swap3A_329 = arith.index_cast %add3A_328 : i32 to index
        %swap3A_330 = arith.constant 0 : index
        %swap3A_331 = tpu.vector_load %arg10[%swap3A_329, %swap3A_330] {strides = array<i32>} : memref<200x128xf32, #tpu.memory_space<vmem>>, vector<1x16xf32>,
        %swap3A_332 = vector.shape_cast %swap3A_331 : vector<1x16xf32> to vector<16xf32>
        %swap3A_333 = vector.shape_cast %mul3A_324 : vector<16xf32> to vector<1x16xf32>
        tpu.vector_store %arg10[%swap3A_329, %swap3A_330], %swap3A_333 {strides = array<i32>} : memref<200x128xf32, #tpu.memory_space<vmem>>, vector<1x16xf32>,
        %mul3A_334 = arith.constant 4 : i32
        %mul3A_335 = arith.muli %scan3A_235, %mul3A_334 : i32
        %add3A_336 = arith.constant 1 : i32
        %add3A_337 = arith.addi %mul3A_335, %add3A_336 : i32
        %get3A_338 = arith.index_cast %add3A_337 : i32 to index
        %get3A_339 = arith.constant 16 : index
        %get3A_340 = tpu.vector_load %arg10[%get3A_338, %get3A_339] {strides = array<i32>} : memref<200x128xf32, #tpu.memory_space<vmem>>, vector<1x16xf32>,
        %get3A_341 = vector.shape_cast %get3A_340 : vector<1x16xf32> to vector<16xf32>
        %mul3A_342 = arith.constant 8.000000e+00 : f32
        %mul3A_343 = vector.broadcast %mul3A_342 : f32 to vector<16xf32>
        %mul3A_344 = arith.mulf %get3A_341, %mul3A_343 : vector<16xf32>
        %mul3A_345 = arith.constant 4 : i32
        %mul3A_346 = arith.muli %scan3A_235, %mul3A_345 : i32
        %add3A_347 = arith.constant 1 : i32
        %add3A_348 = arith.addi %mul3A_346, %add3A_347 : i32
        %swap3A_349 = arith.index_cast %add3A_348 : i32 to index
        %swap3A_350 = arith.constant 16 : index
        %swap3A_351 = tpu.vector_load %arg10[%swap3A_349, %swap3A_350] {strides = array<i32>} : memref<200x128xf32, #tpu.memory_space<vmem>>, vector<1x16xf32>,
        %swap3A_352 = vector.shape_cast %swap3A_351 : vector<1x16xf32> to vector<16xf32>
        %swap3A_353 = vector.shape_cast %mul3A_344 : vector<16xf32> to vector<1x16xf32>
        tpu.vector_store %arg10[%swap3A_349, %swap3A_350], %swap3A_353 {strides = array<i32>} : memref<200x128xf32, #tpu.memory_space<vmem>>, vector<1x16xf32>,
        %mul3A_354 = arith.constant 4 : i32
        %mul3A_355 = arith.muli %scan3A_235, %mul3A_354 : i32
        %add3A_356 = arith.constant 1 : i32
        %add3A_357 = arith.addi %mul3A_355, %add3A_356 : i32
        %get3A_358 = arith.index_cast %add3A_357 : i32 to index
        %get3A_359 = arith.constant 32 : index
        %get3A_360 = tpu.vector_load %arg10[%get3A_358, %get3A_359] {strides = array<i32>} : memref<200x128xf32, #tpu.memory_space<vmem>>, vector<1x16xf32>,
        %get3A_361 = vector.shape_cast %get3A_360 : vector<1x16xf32> to vector<16xf32>
        %mul3A_362 = arith.constant 8.000000e+00 : f32
        %mul3A_363 = vector.broadcast %mul3A_362 : f32 to vector<16xf32>
        %mul3A_364 = arith.mulf %get3A_361, %mul3A_363 : vector<16xf32>
        %mul3A_365 = arith.constant 4 : i32
        %mul3A_366 = arith.muli %scan3A_235, %mul3A_365 : i32
        %add3A_367 = arith.constant 1 : i32
        %add3A_368 = arith.addi %mul3A_366, %add3A_367 : i32
        %swap3A_369 = arith.index_cast %add3A_368 : i32 to index
        %swap3A_370 = arith.constant 32 : index
        %swap3A_371 = tpu.vector_load %arg10[%swap3A_369, %swap3A_370] {strides = array<i32>} : memref<200x128xf32, #tpu.memory_space<vmem>>, vector<1x16xf32>,
        %swap3A_372 = vector.shape_cast %swap3A_371 : vector<1x16xf32> to vector<16xf32>
        %swap3A_373 = vector.shape_cast %mul3A_364 : vector<16xf32> to vector<1x16xf32>
        tpu.vector_store %arg10[%swap3A_369, %swap3A_370], %swap3A_373 {strides = array<i32>} : memref<200x128xf32, #tpu.memory_space<vmem>>, vector<1x16xf32>,
        %mul3A_374 = arith.constant 4 : i32
        %mul3A_375 = arith.muli %scan3A_235, %mul3A_374 : i32
        %add3A_376 = arith.constant 1 : i32
        %add3A_377 = arith.addi %mul3A_375, %add3A_376 : i32
        %get3A_378 = arith.index_cast %add3A_377 : i32 to index
        %get3A_379 = arith.constant 48 : index
        %get3A_380 = tpu.vector_load %arg10[%get3A_378, %get3A_379] {strides = array<i32>} : memref<200x128xf32, #tpu.memory_space<vmem>>, vector<1x16xf32>,
        %get3A_381 = vector.shape_cast %get3A_380 : vector<1x16xf32> to vector<16xf32>
        %mul3A_382 = arith.constant 8.000000e+00 : f32
        %mul3A_383 = vector.broadcast %mul3A_382 : f32 to vector<16xf32>
        %mul3A_384 = arith.mulf %get3A_381, %mul3A_383 : vector<16xf32>
        %mul3A_385 = arith.constant 4 : i32
        %mul3A_386 = arith.muli %scan3A_235, %mul3A_385 : i32
        %add3A_387 = arith.constant 1 : i32
        %add3A_388 = arith.addi %mul3A_386, %add3A_387 : i32
        %swap3A_389 = arith.index_cast %add3A_388 : i32 to index
        %swap3A_390 = arith.constant 48 : index
        %swap3A_391 = tpu.vector_load %arg10[%swap3A_389, %swap3A_390] {strides = array<i32>} : memref<200x128xf32, #tpu.memory_space<vmem>>, vector<1x16xf32>,
        %swap3A_392 = vector.shape_cast %swap3A_391 : vector<1x16xf32> to vector<16xf32>
        %swap3A_393 = vector.shape_cast %mul3A_384 : vector<16xf32> to vector<1x16xf32>
        tpu.vector_store %arg10[%swap3A_389, %swap3A_390], %swap3A_393 {strides = array<i32>} : memref<200x128xf32, #tpu.memory_space<vmem>>, vector<1x16xf32>,
        %mul3A_394 = arith.constant 4 : i32
        %mul3A_395 = arith.muli %scan3A_235, %mul3A_394 : i32
        %add3A_396 = arith.constant 2 : i32
        %add3A_397 = arith.addi %mul3A_395, %add3A_396 : i32
        %get3A_398 = arith.index_cast %add3A_397 : i32 to index
        %get3A_399 = arith.constant 0 : index
        %get3A_400 = tpu.vector_load %arg10[%get3A_398, %get3A_399] {strides = array<i32>} : memref<200x128xf32, #tpu.memory_space<vmem>>, vector<1x16xf32>,
        %get3A_401 = vector.shape_cast %get3A_400 : vector<1x16xf32> to vector<16xf32>
        %mul3A_402 = arith.constant 8.000000e+00 : f32
        %mul3A_403 = vector.broadcast %mul3A_402 : f32 to vector<16xf32>
        %mul3A_404 = arith.mulf %get3A_401, %mul3A_403 : vector<16xf32>
        %mul3A_405 = arith.constant 4 : i32
        %mul3A_406 = arith.muli %scan3A_235, %mul3A_405 : i32
        %add3A_407 = arith.constant 2 : i32
        %add3A_408 = arith.addi %mul3A_406, %add3A_407 : i32
        %swap3A_409 = arith.index_cast %add3A_408 : i32 to index
        %swap3A_410 = arith.constant 0 : index
        %swap3A_411 = tpu.vector_load %arg10[%swap3A_409, %swap3A_410] {strides = array<i32>} : memref<200x128xf32, #tpu.memory_space<vmem>>, vector<1x16xf32>,
        %swap3A_412 = vector.shape_cast %swap3A_411 : vector<1x16xf32> to vector<16xf32>
        %swap3A_413 = vector.shape_cast %mul3A_404 : vector<16xf32> to vector<1x16xf32>
        tpu.vector_store %arg10[%swap3A_409, %swap3A_410], %swap3A_413 {strides = array<i32>} : memref<200x128xf32, #tpu.memory_space<vmem>>, vector<1x16xf32>,
        %mul3A_414 = arith.constant 4 : i32
        %mul3A_415 = arith.muli %scan3A_235, %mul3A_414 : i32
        %add3A_416 = arith.constant 2 : i32
        %add3A_417 = arith.addi %mul3A_415, %add3A_416 : i32
        %get3A_418 = arith.index_cast %add3A_417 : i32 to index
        %get3A_419 = arith.constant 16 : index
        %get3A_420 = tpu.vector_load %arg10[%get3A_418, %get3A_419] {strides = array<i32>} : memref<200x128xf32, #tpu.memory_space<vmem>>, vector<1x16xf32>,
        %get3A_421 = vector.shape_cast %get3A_420 : vector<1x16xf32> to vector<16xf32>
        %mul3A_422 = arith.constant 8.000000e+00 : f32
        %mul3A_423 = vector.broadcast %mul3A_422 : f32 to vector<16xf32>
        %mul3A_424 = arith.mulf %get3A_421, %mul3A_423 : vector<16xf32>
        %mul3A_425 = arith.constant 4 : i32
        %mul3A_426 = arith.muli %scan3A_235, %mul3A_425 : i32
        %add3A_427 = arith.constant 2 : i32
        %add3A_428 = arith.addi %mul3A_426, %add3A_427 : i32
        %swap3A_429 = arith.index_cast %add3A_428 : i32 to index
        %swap3A_430 = arith.constant 16 : index
        %swap3A_431 = tpu.vector_load %arg10[%swap3A_429, %swap3A_430] {strides = array<i32>} : memref<200x128xf32, #tpu.memory_space<vmem>>, vector<1x16xf32>,
        %swap3A_432 = vector.shape_cast %swap3A_431 : vector<1x16xf32> to vector<16xf32>
        %swap3A_433 = vector.shape_cast %mul3A_424 : vector<16xf32> to vector<1x16xf32>
        tpu.vector_store %arg10[%swap3A_429, %swap3A_430], %swap3A_433 {strides = array<i32>} : memref<200x128xf32, #tpu.memory_space<vmem>>, vector<1x16xf32>,
        %mul3A_434 = arith.constant 4 : i32
        %mul3A_435 = arith.muli %scan3A_235, %mul3A_434 : i32
        %add3A_436 = arith.constant 2 : i32
        %add3A_437 = arith.addi %mul3A_435, %add3A_436 : i32
        %get3A_438 = arith.index_cast %add3A_437 : i32 to index
        %get3A_439 = arith.constant 32 : index
        %get3A_440 = tpu.vector_load %arg10[%get3A_438, %get3A_439] {strides = array<i32>} : memref<200x128xf32, #tpu.memory_space<vmem>>, vector<1x16xf32>,
        %get3A_441 = vector.shape_cast %get3A_440 : vector<1x16xf32> to vector<16xf32>
        %mul3A_442 = arith.constant 8.000000e+00 : f32
        %mul3A_443 = vector.broadcast %mul3A_442 : f32 to vector<16xf32>
        %mul3A_444 = arith.mulf %get3A_441, %mul3A_443 : vector<16xf32>
        %mul3A_445 = arith.constant 4 : i32
        %mul3A_446 = arith.muli %scan3A_235, %mul3A_445 : i32
        %add3A_447 = arith.constant 2 : i32
        %add3A_448 = arith.addi %mul3A_446, %add3A_447 : i32
        %swap3A_449 = arith.index_cast %add3A_448 : i32 to index
        %swap3A_450 = arith.constant 32 : index
        %swap3A_451 = tpu.vector_load %arg10[%swap3A_449, %swap3A_450] {strides = array<i32>} : memref<200x128xf32, #tpu.memory_space<vmem>>, vector<1x16xf32>,
        %swap3A_452 = vector.shape_cast %swap3A_451 : vector<1x16xf32> to vector<16xf32>
        %swap3A_453 = vector.shape_cast %mul3A_444 : vector<16xf32> to vector<1x16xf32>
        tpu.vector_store %arg10[%swap3A_449, %swap3A_450], %swap3A_453 {strides = array<i32>} : memref<200x128xf32, #tpu.memory_space<vmem>>, vector<1x16xf32>,
        %mul3A_454 = arith.constant 4 : i32
        %mul3A_455 = arith.muli %scan3A_235, %mul3A_454 : i32
        %add3A_456 = arith.constant 2 : i32
        %add3A_457 = arith.addi %mul3A_455, %add3A_456 : i32
        %get3A_458 = arith.index_cast %add3A_457 : i32 to index
        %get3A_459 = arith.constant 48 : index
        %get3A_460 = tpu.vector_load %arg10[%get3A_458, %get3A_459] {strides = array<i32>} : memref<200x128xf32, #tpu.memory_space<vmem>>, vector<1x16xf32>,
        %get3A_461 = vector.shape_cast %get3A_460 : vector<1x16xf32> to vector<16xf32>
        %mul3A_462 = arith.constant 8.000000e+00 : f32
        %mul3A_463 = vector.broadcast %mul3A_462 : f32 to vector<16xf32>
        %mul3A_464 = arith.mulf %get3A_461, %mul3A_463 : vector<16xf32>
        %mul3A_465 = arith.constant 4 : i32
        %mul3A_466 = arith.muli %scan3A_235, %mul3A_465 : i32
        %add3A_467 = arith.constant 2 : i32
        %add3A_468 = arith.addi %mul3A_466, %add3A_467 : i32
        %swap3A_469 = arith.index_cast %add3A_468 : i32 to index
        %swap3A_470 = arith.constant 48 : index
        %swap3A_471 = tpu.vector_load %arg10[%swap3A_469, %swap3A_470] {strides = array<i32>} : memref<200x128xf32, #tpu.memory_space<vmem>>, vector<1x16xf32>,
        %swap3A_472 = vector.shape_cast %swap3A_471 : vector<1x16xf32> to vector<16xf32>
        %swap3A_473 = vector.shape_cast %mul3A_464 : vector<16xf32> to vector<1x16xf32>
        tpu.vector_store %arg10[%swap3A_469, %swap3A_470], %swap3A_473 {strides = array<i32>} : memref<200x128xf32, #tpu.memory_space<vmem>>, vector<1x16xf32>,
        %mul3A_474 = arith.constant 4 : i32
        %mul3A_475 = arith.muli %scan3A_235, %mul3A_474 : i32
        %add3A_476 = arith.constant 3 : i32
        %add3A_477 = arith.addi %mul3A_475, %add3A_476 : i32
        %get3A_478 = arith.index_cast %add3A_477 : i32 to index
        %get3A_479 = arith.constant 0 : index
        %get3A_480 = tpu.vector_load %arg10[%get3A_478, %get3A_479] {strides = array<i32>} : memref<200x128xf32, #tpu.memory_space<vmem>>, vector<1x16xf32>,
        %get3A_481 = vector.shape_cast %get3A_480 : vector<1x16xf32> to vector<16xf32>
        %mul3A_482 = arith.constant 8.000000e+00 : f32
        %mul3A_483 = vector.broadcast %mul3A_482 : f32 to vector<16xf32>
        %mul3A_484 = arith.mulf %get3A_481, %mul3A_483 : vector<16xf32>
        %mul3A_485 = arith.constant 4 : i32
        %mul3A_486 = arith.muli %scan3A_235, %mul3A_485 : i32
        %add3A_487 = arith.constant 3 : i32
        %add3A_488 = arith.addi %mul3A_486, %add3A_487 : i32
        %swap3A_489 = arith.index_cast %add3A_488 : i32 to index
        %swap3A_490 = arith.constant 0 : index
        %swap3A_491 = tpu.vector_load %arg10[%swap3A_489, %swap3A_490] {strides = array<i32>} : memref<200x128xf32, #tpu.memory_space<vmem>>, vector<1x16xf32>,
        %swap3A_492 = vector.shape_cast %swap3A_491 : vector<1x16xf32> to vector<16xf32>
        %swap3A_493 = vector.shape_cast %mul3A_484 : vector<16xf32> to vector<1x16xf32>
        tpu.vector_store %arg10[%swap3A_489, %swap3A_490], %swap3A_493 {strides = array<i32>} : memref<200x128xf32, #tpu.memory_space<vmem>>, vector<1x16xf32>,
        %mul3A_494 = arith.constant 4 : i32
        %mul3A_495 = arith.muli %scan3A_235, %mul3A_494 : i32
        %add3A_496 = arith.constant 3 : i32
        %add3A_497 = arith.addi %mul3A_495, %add3A_496 : i32
        %get3A_498 = arith.index_cast %add3A_497 : i32 to index
        %get3A_499 = arith.constant 16 : index
        %get3A_500 = tpu.vector_load %arg10[%get3A_498, %get3A_499] {strides = array<i32>} : memref<200x128xf32, #tpu.memory_space<vmem>>, vector<1x16xf32>,
        %get3A_501 = vector.shape_cast %get3A_500 : vector<1x16xf32> to vector<16xf32>
        %mul3A_502 = arith.constant 8.000000e+00 : f32
        %mul3A_503 = vector.broadcast %mul3A_502 : f32 to vector<16xf32>
        %mul3A_504 = arith.mulf %get3A_501, %mul3A_503 : vector<16xf32>
        %mul3A_505 = arith.constant 4 : i32
        %mul3A_506 = arith.muli %scan3A_235, %mul3A_505 : i32
        %add3A_507 = arith.constant 3 : i32
        %add3A_508 = arith.addi %mul3A_506, %add3A_507 : i32
        %swap3A_509 = arith.index_cast %add3A_508 : i32 to index
        %swap3A_510 = arith.constant 16 : index
        %swap3A_511 = tpu.vector_load %arg10[%swap3A_509, %swap3A_510] {strides = array<i32>} : memref<200x128xf32, #tpu.memory_space<vmem>>, vector<1x16xf32>,
        %swap3A_512 = vector.shape_cast %swap3A_511 : vector<1x16xf32> to vector<16xf32>
        %swap3A_513 = vector.shape_cast %mul3A_504 : vector<16xf32> to vector<1x16xf32>
        tpu.vector_store %arg10[%swap3A_509, %swap3A_510], %swap3A_513 {strides = array<i32>} : memref<200x128xf32, #tpu.memory_space<vmem>>, vector<1x16xf32>,
        %mul3A_514 = arith.constant 4 : i32
        %mul3A_515 = arith.muli %scan3A_235, %mul3A_514 : i32
        %add3A_516 = arith.constant 3 : i32
        %add3A_517 = arith.addi %mul3A_515, %add3A_516 : i32
        %get3A_518 = arith.index_cast %add3A_517 : i32 to index
        %get3A_519 = arith.constant 32 : index
        %get3A_520 = tpu.vector_load %arg10[%get3A_518, %get3A_519] {strides = array<i32>} : memref<200x128xf32, #tpu.memory_space<vmem>>, vector<1x16xf32>,
        %get3A_521 = vector.shape_cast %get3A_520 : vector<1x16xf32> to vector<16xf32>
        %mul3A_522 = arith.constant 8.000000e+00 : f32
        %mul3A_523 = vector.broadcast %mul3A_522 : f32 to vector<16xf32>
        %mul3A_524 = arith.mulf %get3A_521, %mul3A_523 : vector<16xf32>
        %mul3A_525 = arith.constant 4 : i32
        %mul3A_526 = arith.muli %scan3A_235, %mul3A_525 : i32
        %add3A_527 = arith.constant 3 : i32
        %add3A_528 = arith.addi %mul3A_526, %add3A_527 : i32
        %swap3A_529 = arith.index_cast %add3A_528 : i32 to index
        %swap3A_530 = arith.constant 32 : index
        %swap3A_531 = tpu.vector_load %arg10[%swap3A_529, %swap3A_530] {strides = array<i32>} : memref<200x128xf32, #tpu.memory_space<vmem>>, vector<1x16xf32>,
        %swap3A_532 = vector.shape_cast %swap3A_531 : vector<1x16xf32> to vector<16xf32>
        %swap3A_533 = vector.shape_cast %mul3A_524 : vector<16xf32> to vector<1x16xf32>
        tpu.vector_store %arg10[%swap3A_529, %swap3A_530], %swap3A_533 {strides = array<i32>} : memref<200x128xf32, #tpu.memory_space<vmem>>, vector<1x16xf32>,
        %mul3A_534 = arith.constant 4 : i32
        %mul3A_535 = arith.muli %scan3A_235, %mul3A_534 : i32
        %add3A_536 = arith.constant 3 : i32
        %add3A_537 = arith.addi %mul3A_535, %add3A_536 : i32
        %get3A_538 = arith.index_cast %add3A_537 : i32 to index
        %get3A_539 = arith.constant 48 : index
        %get3A_540 = tpu.vector_load %arg10[%get3A_538, %get3A_539] {strides = array<i32>} : memref<200x128xf32, #tpu.memory_space<vmem>>, vector<1x16xf32>,
        %get3A_541 = vector.shape_cast %get3A_540 : vector<1x16xf32> to vector<16xf32>
        %mul3A_542 = arith.constant 8.000000e+00 : f32
        %mul3A_543 = vector.broadcast %mul3A_542 : f32 to vector<16xf32>
        %mul3A_544 = arith.mulf %get3A_541, %mul3A_543 : vector<16xf32>
        %mul3A_545 = arith.constant 4 : i32
        %mul3A_546 = arith.muli %scan3A_235, %mul3A_545 : i32
        %add3A_547 = arith.constant 3 : i32
        %add3A_548 = arith.addi %mul3A_546, %add3A_547 : i32
        %swap3A_549 = arith.index_cast %add3A_548 : i32 to index
        %swap3A_550 = arith.constant 48 : index
        %swap3A_551 = tpu.vector_load %arg10[%swap3A_549, %swap3A_550] {strides = array<i32>} : memref<200x128xf32, #tpu.memory_space<vmem>>, vector<1x16xf32>,
        %swap3A_552 = vector.shape_cast %swap3A_551 : vector<1x16xf32> to vector<16xf32>
        %swap3A_553 = vector.shape_cast %mul3A_544 : vector<16xf32> to vector<1x16xf32>
        tpu.vector_store %arg10[%swap3A_549, %swap3A_550], %swap3A_553 {strides = array<i32>} : memref<200x128xf32, #tpu.memory_space<vmem>>, vector<1x16xf32>,
      }
      %scan3A_158 = arith.constant 50 : i32
      %dma_start3A_159 = arith.constant 0 : i32
      %dma_start3A_160 = arith.constant 0 : i32
      %dma_start3A_161 = tpu.memref_slice %arg4[%add3A_137, %dma_start3A_159, %dma_start3A_160] : memref<4096x200x128xf32, #tpu.memory_space<hbm>> -> memref<1x200x128xf32, #tpu.memory_space<hbm>>
      %dma_start3A_162 = tpu.memref_squeeze %dma_start3A_161 : memref<1x200x128xf32, #tpu.memory_space<hbm>> -> memref<200x128xf32, #tpu.memory_space<hbm>>
      %dma_start3A_163 = arith.constant 0 : i32
      %dma_start3A_164 = arith.constant 0 : i32
      %dma_start3A_165 = tpu.memref_slice %arg4[%add3A_137, %dma_start3A_163, %dma_start3A_164] : memref<4096x200x128xf32, #tpu.memory_space<hbm>> -> memref<1x200x128xf32, #tpu.memory_space<hbm>>
      %dma_start3A_166 = tpu.memref_squeeze %dma_start3A_165 : memref<1x200x128xf32, #tpu.memory_space<hbm>> -> memref<200x128xf32, #tpu.memory_space<hbm>>
      tpu.enqueue_dma source(%arg10 : memref<200x128xf32, #tpu.memory_space<vmem>>) target(%dma_start3A_166 : memref<200x128xf32, #tpu.memory_space<hbm>>) target_semaphore(%arg18 : memref<!tpu.dma_semaphore, #tpu.memory_space<semaphore_mem>>)
      %mul3A_167 = arith.constant 4 : i32
      %mul3A_168 = arith.muli %scan3A_101, %mul3A_167 : i32
      %add3A_169 = arith.constant 2 : i32
      %add3A_170 = arith.addi %mul3A_168, %add3A_169 : i32
      %add3A_171 = arith.addi %mul3A_2, %add3A_170 : i32
      %add3A_172 = arith.constant 2 : i32
      %add3A_173 = arith.addi %add3A_170, %add3A_172 : i32
      %lt3A_174 = arith.constant 128 : i32
      %lt3A_175 = arith.cmpi slt, %add3A_173, %lt3A_174 : i32
      %convert_element_type3A_176 = arith.extui %lt3A_175 : i1 to i32
      %cond3A_177 = arith.constant 0 : i32
      %cond3A_178 = arith.cmpi ne, %convert_element_type3A_176, %cond3A_177 : i32
      scf.if %cond3A_178 {
        %ge3A = arith.constant 2 : i32
        %ge3A_235 = arith.cmpi sge, %add3A_170, %ge3A : i32
        %convert_element_type3A_236 = arith.extui %ge3A_235 : i1 to i32
        %cond3A_237 = arith.constant 0 : i32
        %cond3A_238 = arith.cmpi ne, %convert_element_type3A_236, %cond3A_237 : i32
        scf.if %cond3A_238 {
          %sub3A_259 = arith.constant 2 : i32
          %sub3A_260 = arith.subi %add3A_171, %sub3A_259 : i32
          %dma_wait3A_261 = arith.constant 0 : i32
          %dma_wait3A_262 = arith.constant 0 : i32
          %dma_wait3A_263 = tpu.memref_slice %arg4[%sub3A_260, %dma_wait3A_261, %dma_wait3A_262] : memref<4096x200x128xf32, #tpu.memory_space<hbm>> -> memref<1x200x128xf32, #tpu.memory_space<hbm>>
          %dma_wait3A_264 = tpu.memref_squeeze %dma_wait3A_263 : memref<1x200x128xf32, #tpu.memory_space<hbm>> -> memref<200x128xf32, #tpu.memory_space<hbm>>
          %dma_wait3A_265 = arith.constant 0 : i32
          %dma_wait3A_266 = arith.constant 0 : i32
          %dma_wait3A_267 = tpu.memref_slice %arg4[%sub3A_260, %dma_wait3A_265, %dma_wait3A_266] : memref<4096x200x128xf32, #tpu.memory_space<hbm>> -> memref<1x200x128xf32, #tpu.memory_space<hbm>>
          %dma_wait3A_268 = tpu.memref_squeeze %dma_wait3A_267 : memref<1x200x128xf32, #tpu.memory_space<hbm>> -> memref<200x128xf32, #tpu.memory_space<hbm>>
          tpu.wait_dma2 semaphore(%arg17 : memref<!tpu.dma_semaphore, #tpu.memory_space<semaphore_mem>>) src(%arg9 : memref<200x128xf32, #tpu.memory_space<vmem>>) dst(%dma_wait3A_268 : memref<200x128xf32, #tpu.memory_space<hbm>>)
        } else {
        }
        %add3A_239 = arith.constant 2 : i32
        %add3A_240 = arith.addi %add3A_171, %add3A_239 : i32
        %mul3A_241 = arith.constant 200 : i32
        %mul3A_242 = arith.muli %add3A_240, %mul3A_241 : i32
        "tpu.region"() ({
          %run_scoped3A = tpu.sem_alloc : memref<!tpu.dma_semaphore, #tpu.memory_space<semaphore_mem>>
          %dma_start3A_259 = tpu.memref_slice %arg2[%mul3A_242] : memref<819200xi32, #tpu.memory_space<hbm>> -> memref<200xi32, #tpu.memory_space<hbm>>
          %dma_start3A_260 = tpu.memref_slice %arg2[%mul3A_242] : memref<819200xi32, #tpu.memory_space<hbm>> -> memref<200xi32, #tpu.memory_space<hbm>>
          tpu.enqueue_dma source(%dma_start3A_260 : memref<200xi32, #tpu.memory_space<hbm>>) target(%arg5 : memref<200xi32, #tpu.memory_space<vmem>>) target_semaphore(%run_scoped3A : memref<!tpu.dma_semaphore, #tpu.memory_space<semaphore_mem>>)
          %dma_wait3A_261 = tpu.memref_slice %arg2[%mul3A_242] : memref<819200xi32, #tpu.memory_space<hbm>> -> memref<200xi32, #tpu.memory_space<hbm>>
          %dma_wait3A_262 = tpu.memref_slice %arg2[%mul3A_242] : memref<819200xi32, #tpu.memory_space<hbm>> -> memref<200xi32, #tpu.memory_space<hbm>>
          tpu.wait_dma2 semaphore(%run_scoped3A : memref<!tpu.dma_semaphore, #tpu.memory_space<semaphore_mem>>) src(%dma_wait3A_262 : memref<200xi32, #tpu.memory_space<hbm>>) dst(%arg5 : memref<200xi32, #tpu.memory_space<vmem>>)
          tpu.yield
        }) : () -> ()
        %dma_start3A_243 = arith.constant 0 : i32
        %dma_start3A_244 = arith.constant 0 : i32
        %dma_start3A_245 = tpu.memref_slice %arg9[%dma_start3A_243, %dma_start3A_244] : memref<200x128xf32, #tpu.memory_space<vmem>> -> memref<128x128xf32, #tpu.memory_space<vmem>>
        %dma_start3A_246 = arith.constant 0 : i32
        %dma_start3A_247 = tpu.memref_slice %arg5[%dma_start3A_246] : memref<200xi32, #tpu.memory_space<vmem>> -> memref<128xi32, #tpu.memory_space<vmem>>
        %dma_start3A_248 = arith.constant 0 : i32
        %dma_start3A_249 = arith.constant 0 : i32
        %dma_start3A_250 = tpu.memref_slice %arg3[%dma_start3A_248, %dma_start3A_249] : memref<1000000x128xf32, #tpu.memory_space<hbm>> -> memref<1000000x128xf32, #tpu.memory_space<hbm>>
        tpu.enqueue_indirect_dma source(%dma_start3A_250 : memref<1000000x128xf32, #tpu.memory_space<hbm>>) target(%dma_start3A_245 : memref<128x128xf32, #tpu.memory_space<vmem>>) offsets(%dma_start3A_247 : memref<128xi32, #tpu.memory_space<vmem>>) semaphore(%arg13 : memref<!tpu.dma_semaphore, #tpu.memory_space<semaphore_mem>>)
        %dma_start3A_251 = arith.constant 128 : i32
        %dma_start3A_252 = arith.constant 0 : i32
        %dma_start3A_253 = tpu.memref_slice %arg9[%dma_start3A_251, %dma_start3A_252] : memref<200x128xf32, #tpu.memory_space<vmem>> -> memref<72x128xf32, #tpu.memory_space<vmem>>
        %dma_start3A_254 = arith.constant 128 : i32
        %dma_start3A_255 = tpu.memref_slice %arg5[%dma_start3A_254] : memref<200xi32, #tpu.memory_space<vmem>> -> memref<72xi32, #tpu.memory_space<vmem>>
        %dma_start3A_256 = arith.constant 0 : i32
        %dma_start3A_257 = arith.constant 0 : i32
        %dma_start3A_258 = tpu.memref_slice %arg3[%dma_start3A_256, %dma_start3A_257] : memref<1000000x128xf32, #tpu.memory_space<hbm>> -> memref<1000000x128xf32, #tpu.memory_space<hbm>>
        tpu.enqueue_indirect_dma source(%dma_start3A_258 : memref<1000000x128xf32, #tpu.memory_space<hbm>>) target(%dma_start3A_253 : memref<72x128xf32, #tpu.memory_space<vmem>>) offsets(%dma_start3A_255 : memref<72xi32, #tpu.memory_space<vmem>>) semaphore(%arg13 : memref<!tpu.dma_semaphore, #tpu.memory_space<semaphore_mem>>)
      } else {
      }
      %dma_wait3A_179 = arith.constant 0 : i32
      %dma_wait3A_180 = arith.constant 0 : i32
      %dma_wait3A_181 = tpu.memref_slice %arg4[%add3A_171, %dma_wait3A_179, %dma_wait3A_180] : memref<4096x200x128xf32, #tpu.memory_space<hbm>> -> memref<1x200x128xf32, #tpu.memory_space<hbm>>
      %dma_wait3A_182 = tpu.memref_squeeze %dma_wait3A_181 : memref<1x200x128xf32, #tpu.memory_space<hbm>> -> memref<200x128xf32, #tpu.memory_space<hbm>>
      %dma_wait3A_183 = arith.constant 0 : i32
      %dma_wait3A_184 = arith.constant 0 : i32
      %dma_wait3A_185 = tpu.memref_slice %arg4[%add3A_171, %dma_wait3A_183, %dma_wait3A_184] : memref<4096x200x128xf32, #tpu.memory_space<hbm>> -> memref<1x200x128xf32, #tpu.memory_space<hbm>>
      %dma_wait3A_186 = tpu.memref_squeeze %dma_wait3A_185 : memref<1x200x128xf32, #tpu.memory_space<hbm>> -> memref<200x128xf32, #tpu.memory_space<hbm>>
      tpu.wait_dma2 semaphore(%arg15 : memref<!tpu.dma_semaphore, #tpu.memory_space<semaphore_mem>>) src(%dma_wait3A_186 : memref<200x128xf32, #tpu.memory_space<hbm>>) dst(%arg11 : memref<200x128xf32, #tpu.memory_space<vmem>>)
      %scan3A_187 = arith.constant 0 : i32
      %scan3A_188 = arith.constant 0 : i32
      %scan3A_189 = arith.constant 50 : i32
      %scan3A_190 = arith.addi %scan3A_188, %scan3A_189 : i32
      %scan3A_191 = arith.constant 1 : i32
      scf.for %scan3A_235 = %scan3A_188 to %scan3A_190 step %scan3A_191  : i32 {
        %mul3A_236 = arith.constant 4 : i32
        %mul3A_237 = arith.muli %scan3A_235, %mul3A_236 : i32
        %add3A_238 = arith.constant 0 : i32
        %add3A_239 = arith.addi %mul3A_237, %add3A_238 : i32
        %get3A = arith.index_cast %add3A_239 : i32 to index
        %get3A_240 = arith.constant 0 : index
        %get3A_241 = tpu.vector_load %arg11[%get3A, %get3A_240] {strides = array<i32>} : memref<200x128xf32, #tpu.memory_space<vmem>>, vector<1x16xf32>,
        %get3A_242 = vector.shape_cast %get3A_241 : vector<1x16xf32> to vector<16xf32>
        %mul3A_243 = arith.constant 8.000000e+00 : f32
        %mul3A_244 = vector.broadcast %mul3A_243 : f32 to vector<16xf32>
        %mul3A_245 = arith.mulf %get3A_242, %mul3A_244 : vector<16xf32>
        %mul3A_246 = arith.constant 4 : i32
        %mul3A_247 = arith.muli %scan3A_235, %mul3A_246 : i32
        %add3A_248 = arith.constant 0 : i32
        %add3A_249 = arith.addi %mul3A_247, %add3A_248 : i32
        %swap3A = arith.index_cast %add3A_249 : i32 to index
        %swap3A_250 = arith.constant 0 : index
        %swap3A_251 = tpu.vector_load %arg11[%swap3A, %swap3A_250] {strides = array<i32>} : memref<200x128xf32, #tpu.memory_space<vmem>>, vector<1x16xf32>,
        %swap3A_252 = vector.shape_cast %swap3A_251 : vector<1x16xf32> to vector<16xf32>
        %swap3A_253 = vector.shape_cast %mul3A_245 : vector<16xf32> to vector<1x16xf32>
        tpu.vector_store %arg11[%swap3A, %swap3A_250], %swap3A_253 {strides = array<i32>} : memref<200x128xf32, #tpu.memory_space<vmem>>, vector<1x16xf32>,
        %mul3A_254 = arith.constant 4 : i32
        %mul3A_255 = arith.muli %scan3A_235, %mul3A_254 : i32
        %add3A_256 = arith.constant 0 : i32
        %add3A_257 = arith.addi %mul3A_255, %add3A_256 : i32
        %get3A_258 = arith.index_cast %add3A_257 : i32 to index
        %get3A_259 = arith.constant 16 : index
        %get3A_260 = tpu.vector_load %arg11[%get3A_258, %get3A_259] {strides = array<i32>} : memref<200x128xf32, #tpu.memory_space<vmem>>, vector<1x16xf32>,
        %get3A_261 = vector.shape_cast %get3A_260 : vector<1x16xf32> to vector<16xf32>
        %mul3A_262 = arith.constant 8.000000e+00 : f32
        %mul3A_263 = vector.broadcast %mul3A_262 : f32 to vector<16xf32>
        %mul3A_264 = arith.mulf %get3A_261, %mul3A_263 : vector<16xf32>
        %mul3A_265 = arith.constant 4 : i32
        %mul3A_266 = arith.muli %scan3A_235, %mul3A_265 : i32
        %add3A_267 = arith.constant 0 : i32
        %add3A_268 = arith.addi %mul3A_266, %add3A_267 : i32
        %swap3A_269 = arith.index_cast %add3A_268 : i32 to index
        %swap3A_270 = arith.constant 16 : index
        %swap3A_271 = tpu.vector_load %arg11[%swap3A_269, %swap3A_270] {strides = array<i32>} : memref<200x128xf32, #tpu.memory_space<vmem>>, vector<1x16xf32>,
        %swap3A_272 = vector.shape_cast %swap3A_271 : vector<1x16xf32> to vector<16xf32>
        %swap3A_273 = vector.shape_cast %mul3A_264 : vector<16xf32> to vector<1x16xf32>
        tpu.vector_store %arg11[%swap3A_269, %swap3A_270], %swap3A_273 {strides = array<i32>} : memref<200x128xf32, #tpu.memory_space<vmem>>, vector<1x16xf32>,
        %mul3A_274 = arith.constant 4 : i32
        %mul3A_275 = arith.muli %scan3A_235, %mul3A_274 : i32
        %add3A_276 = arith.constant 0 : i32
        %add3A_277 = arith.addi %mul3A_275, %add3A_276 : i32
        %get3A_278 = arith.index_cast %add3A_277 : i32 to index
        %get3A_279 = arith.constant 32 : index
        %get3A_280 = tpu.vector_load %arg11[%get3A_278, %get3A_279] {strides = array<i32>} : memref<200x128xf32, #tpu.memory_space<vmem>>, vector<1x16xf32>,
        %get3A_281 = vector.shape_cast %get3A_280 : vector<1x16xf32> to vector<16xf32>
        %mul3A_282 = arith.constant 8.000000e+00 : f32
        %mul3A_283 = vector.broadcast %mul3A_282 : f32 to vector<16xf32>
        %mul3A_284 = arith.mulf %get3A_281, %mul3A_283 : vector<16xf32>
        %mul3A_285 = arith.constant 4 : i32
        %mul3A_286 = arith.muli %scan3A_235, %mul3A_285 : i32
        %add3A_287 = arith.constant 0 : i32
        %add3A_288 = arith.addi %mul3A_286, %add3A_287 : i32
        %swap3A_289 = arith.index_cast %add3A_288 : i32 to index
        %swap3A_290 = arith.constant 32 : index
        %swap3A_291 = tpu.vector_load %arg11[%swap3A_289, %swap3A_290] {strides = array<i32>} : memref<200x128xf32, #tpu.memory_space<vmem>>, vector<1x16xf32>,
        %swap3A_292 = vector.shape_cast %swap3A_291 : vector<1x16xf32> to vector<16xf32>
        %swap3A_293 = vector.shape_cast %mul3A_284 : vector<16xf32> to vector<1x16xf32>
        tpu.vector_store %arg11[%swap3A_289, %swap3A_290], %swap3A_293 {strides = array<i32>} : memref<200x128xf32, #tpu.memory_space<vmem>>, vector<1x16xf32>,
        %mul3A_294 = arith.constant 4 : i32
        %mul3A_295 = arith.muli %scan3A_235, %mul3A_294 : i32
        %add3A_296 = arith.constant 0 : i32
        %add3A_297 = arith.addi %mul3A_295, %add3A_296 : i32
        %get3A_298 = arith.index_cast %add3A_297 : i32 to index
        %get3A_299 = arith.constant 48 : index
        %get3A_300 = tpu.vector_load %arg11[%get3A_298, %get3A_299] {strides = array<i32>} : memref<200x128xf32, #tpu.memory_space<vmem>>, vector<1x16xf32>,
        %get3A_301 = vector.shape_cast %get3A_300 : vector<1x16xf32> to vector<16xf32>
        %mul3A_302 = arith.constant 8.000000e+00 : f32
        %mul3A_303 = vector.broadcast %mul3A_302 : f32 to vector<16xf32>
        %mul3A_304 = arith.mulf %get3A_301, %mul3A_303 : vector<16xf32>
        %mul3A_305 = arith.constant 4 : i32
        %mul3A_306 = arith.muli %scan3A_235, %mul3A_305 : i32
        %add3A_307 = arith.constant 0 : i32
        %add3A_308 = arith.addi %mul3A_306, %add3A_307 : i32
        %swap3A_309 = arith.index_cast %add3A_308 : i32 to index
        %swap3A_310 = arith.constant 48 : index
        %swap3A_311 = tpu.vector_load %arg11[%swap3A_309, %swap3A_310] {strides = array<i32>} : memref<200x128xf32, #tpu.memory_space<vmem>>, vector<1x16xf32>,
        %swap3A_312 = vector.shape_cast %swap3A_311 : vector<1x16xf32> to vector<16xf32>
        %swap3A_313 = vector.shape_cast %mul3A_304 : vector<16xf32> to vector<1x16xf32>
        tpu.vector_store %arg11[%swap3A_309, %swap3A_310], %swap3A_313 {strides = array<i32>} : memref<200x128xf32, #tpu.memory_space<vmem>>, vector<1x16xf32>,
        %mul3A_314 = arith.constant 4 : i32
        %mul3A_315 = arith.muli %scan3A_235, %mul3A_314 : i32
        %add3A_316 = arith.constant 1 : i32
        %add3A_317 = arith.addi %mul3A_315, %add3A_316 : i32
        %get3A_318 = arith.index_cast %add3A_317 : i32 to index
        %get3A_319 = arith.constant 0 : index
        %get3A_320 = tpu.vector_load %arg11[%get3A_318, %get3A_319] {strides = array<i32>} : memref<200x128xf32, #tpu.memory_space<vmem>>, vector<1x16xf32>,
        %get3A_321 = vector.shape_cast %get3A_320 : vector<1x16xf32> to vector<16xf32>
        %mul3A_322 = arith.constant 8.000000e+00 : f32
        %mul3A_323 = vector.broadcast %mul3A_322 : f32 to vector<16xf32>
        %mul3A_324 = arith.mulf %get3A_321, %mul3A_323 : vector<16xf32>
        %mul3A_325 = arith.constant 4 : i32
        %mul3A_326 = arith.muli %scan3A_235, %mul3A_325 : i32
        %add3A_327 = arith.constant 1 : i32
        %add3A_328 = arith.addi %mul3A_326, %add3A_327 : i32
        %swap3A_329 = arith.index_cast %add3A_328 : i32 to index
        %swap3A_330 = arith.constant 0 : index
        %swap3A_331 = tpu.vector_load %arg11[%swap3A_329, %swap3A_330] {strides = array<i32>} : memref<200x128xf32, #tpu.memory_space<vmem>>, vector<1x16xf32>,
        %swap3A_332 = vector.shape_cast %swap3A_331 : vector<1x16xf32> to vector<16xf32>
        %swap3A_333 = vector.shape_cast %mul3A_324 : vector<16xf32> to vector<1x16xf32>
        tpu.vector_store %arg11[%swap3A_329, %swap3A_330], %swap3A_333 {strides = array<i32>} : memref<200x128xf32, #tpu.memory_space<vmem>>, vector<1x16xf32>,
        %mul3A_334 = arith.constant 4 : i32
        %mul3A_335 = arith.muli %scan3A_235, %mul3A_334 : i32
        %add3A_336 = arith.constant 1 : i32
        %add3A_337 = arith.addi %mul3A_335, %add3A_336 : i32
        %get3A_338 = arith.index_cast %add3A_337 : i32 to index
        %get3A_339 = arith.constant 16 : index
        %get3A_340 = tpu.vector_load %arg11[%get3A_338, %get3A_339] {strides = array<i32>} : memref<200x128xf32, #tpu.memory_space<vmem>>, vector<1x16xf32>,
        %get3A_341 = vector.shape_cast %get3A_340 : vector<1x16xf32> to vector<16xf32>
        %mul3A_342 = arith.constant 8.000000e+00 : f32
        %mul3A_343 = vector.broadcast %mul3A_342 : f32 to vector<16xf32>
        %mul3A_344 = arith.mulf %get3A_341, %mul3A_343 : vector<16xf32>
        %mul3A_345 = arith.constant 4 : i32
        %mul3A_346 = arith.muli %scan3A_235, %mul3A_345 : i32
        %add3A_347 = arith.constant 1 : i32
        %add3A_348 = arith.addi %mul3A_346, %add3A_347 : i32
        %swap3A_349 = arith.index_cast %add3A_348 : i32 to index
        %swap3A_350 = arith.constant 16 : index
        %swap3A_351 = tpu.vector_load %arg11[%swap3A_349, %swap3A_350] {strides = array<i32>} : memref<200x128xf32, #tpu.memory_space<vmem>>, vector<1x16xf32>,
        %swap3A_352 = vector.shape_cast %swap3A_351 : vector<1x16xf32> to vector<16xf32>
        %swap3A_353 = vector.shape_cast %mul3A_344 : vector<16xf32> to vector<1x16xf32>
        tpu.vector_store %arg11[%swap3A_349, %swap3A_350], %swap3A_353 {strides = array<i32>} : memref<200x128xf32, #tpu.memory_space<vmem>>, vector<1x16xf32>,
        %mul3A_354 = arith.constant 4 : i32
        %mul3A_355 = arith.muli %scan3A_235, %mul3A_354 : i32
        %add3A_356 = arith.constant 1 : i32
        %add3A_357 = arith.addi %mul3A_355, %add3A_356 : i32
        %get3A_358 = arith.index_cast %add3A_357 : i32 to index
        %get3A_359 = arith.constant 32 : index
        %get3A_360 = tpu.vector_load %arg11[%get3A_358, %get3A_359] {strides = array<i32>} : memref<200x128xf32, #tpu.memory_space<vmem>>, vector<1x16xf32>,
        %get3A_361 = vector.shape_cast %get3A_360 : vector<1x16xf32> to vector<16xf32>
        %mul3A_362 = arith.constant 8.000000e+00 : f32
        %mul3A_363 = vector.broadcast %mul3A_362 : f32 to vector<16xf32>
        %mul3A_364 = arith.mulf %get3A_361, %mul3A_363 : vector<16xf32>
        %mul3A_365 = arith.constant 4 : i32
        %mul3A_366 = arith.muli %scan3A_235, %mul3A_365 : i32
        %add3A_367 = arith.constant 1 : i32
        %add3A_368 = arith.addi %mul3A_366, %add3A_367 : i32
        %swap3A_369 = arith.index_cast %add3A_368 : i32 to index
        %swap3A_370 = arith.constant 32 : index
        %swap3A_371 = tpu.vector_load %arg11[%swap3A_369, %swap3A_370] {strides = array<i32>} : memref<200x128xf32, #tpu.memory_space<vmem>>, vector<1x16xf32>,
        %swap3A_372 = vector.shape_cast %swap3A_371 : vector<1x16xf32> to vector<16xf32>
        %swap3A_373 = vector.shape_cast %mul3A_364 : vector<16xf32> to vector<1x16xf32>
        tpu.vector_store %arg11[%swap3A_369, %swap3A_370], %swap3A_373 {strides = array<i32>} : memref<200x128xf32, #tpu.memory_space<vmem>>, vector<1x16xf32>,
        %mul3A_374 = arith.constant 4 : i32
        %mul3A_375 = arith.muli %scan3A_235, %mul3A_374 : i32
        %add3A_376 = arith.constant 1 : i32
        %add3A_377 = arith.addi %mul3A_375, %add3A_376 : i32
        %get3A_378 = arith.index_cast %add3A_377 : i32 to index
        %get3A_379 = arith.constant 48 : index
        %get3A_380 = tpu.vector_load %arg11[%get3A_378, %get3A_379] {strides = array<i32>} : memref<200x128xf32, #tpu.memory_space<vmem>>, vector<1x16xf32>,
        %get3A_381 = vector.shape_cast %get3A_380 : vector<1x16xf32> to vector<16xf32>
        %mul3A_382 = arith.constant 8.000000e+00 : f32
        %mul3A_383 = vector.broadcast %mul3A_382 : f32 to vector<16xf32>
        %mul3A_384 = arith.mulf %get3A_381, %mul3A_383 : vector<16xf32>
        %mul3A_385 = arith.constant 4 : i32
        %mul3A_386 = arith.muli %scan3A_235, %mul3A_385 : i32
        %add3A_387 = arith.constant 1 : i32
        %add3A_388 = arith.addi %mul3A_386, %add3A_387 : i32
        %swap3A_389 = arith.index_cast %add3A_388 : i32 to index
        %swap3A_390 = arith.constant 48 : index
        %swap3A_391 = tpu.vector_load %arg11[%swap3A_389, %swap3A_390] {strides = array<i32>} : memref<200x128xf32, #tpu.memory_space<vmem>>, vector<1x16xf32>,
        %swap3A_392 = vector.shape_cast %swap3A_391 : vector<1x16xf32> to vector<16xf32>
        %swap3A_393 = vector.shape_cast %mul3A_384 : vector<16xf32> to vector<1x16xf32>
        tpu.vector_store %arg11[%swap3A_389, %swap3A_390], %swap3A_393 {strides = array<i32>} : memref<200x128xf32, #tpu.memory_space<vmem>>, vector<1x16xf32>,
        %mul3A_394 = arith.constant 4 : i32
        %mul3A_395 = arith.muli %scan3A_235, %mul3A_394 : i32
        %add3A_396 = arith.constant 2 : i32
        %add3A_397 = arith.addi %mul3A_395, %add3A_396 : i32
        %get3A_398 = arith.index_cast %add3A_397 : i32 to index
        %get3A_399 = arith.constant 0 : index
        %get3A_400 = tpu.vector_load %arg11[%get3A_398, %get3A_399] {strides = array<i32>} : memref<200x128xf32, #tpu.memory_space<vmem>>, vector<1x16xf32>,
        %get3A_401 = vector.shape_cast %get3A_400 : vector<1x16xf32> to vector<16xf32>
        %mul3A_402 = arith.constant 8.000000e+00 : f32
        %mul3A_403 = vector.broadcast %mul3A_402 : f32 to vector<16xf32>
        %mul3A_404 = arith.mulf %get3A_401, %mul3A_403 : vector<16xf32>
        %mul3A_405 = arith.constant 4 : i32
        %mul3A_406 = arith.muli %scan3A_235, %mul3A_405 : i32
        %add3A_407 = arith.constant 2 : i32
        %add3A_408 = arith.addi %mul3A_406, %add3A_407 : i32
        %swap3A_409 = arith.index_cast %add3A_408 : i32 to index
        %swap3A_410 = arith.constant 0 : index
        %swap3A_411 = tpu.vector_load %arg11[%swap3A_409, %swap3A_410] {strides = array<i32>} : memref<200x128xf32, #tpu.memory_space<vmem>>, vector<1x16xf32>,
        %swap3A_412 = vector.shape_cast %swap3A_411 : vector<1x16xf32> to vector<16xf32>
        %swap3A_413 = vector.shape_cast %mul3A_404 : vector<16xf32> to vector<1x16xf32>
        tpu.vector_store %arg11[%swap3A_409, %swap3A_410], %swap3A_413 {strides = array<i32>} : memref<200x128xf32, #tpu.memory_space<vmem>>, vector<1x16xf32>,
        %mul3A_414 = arith.constant 4 : i32
        %mul3A_415 = arith.muli %scan3A_235, %mul3A_414 : i32
        %add3A_416 = arith.constant 2 : i32
        %add3A_417 = arith.addi %mul3A_415, %add3A_416 : i32
        %get3A_418 = arith.index_cast %add3A_417 : i32 to index
        %get3A_419 = arith.constant 16 : index
        %get3A_420 = tpu.vector_load %arg11[%get3A_418, %get3A_419] {strides = array<i32>} : memref<200x128xf32, #tpu.memory_space<vmem>>, vector<1x16xf32>,
        %get3A_421 = vector.shape_cast %get3A_420 : vector<1x16xf32> to vector<16xf32>
        %mul3A_422 = arith.constant 8.000000e+00 : f32
        %mul3A_423 = vector.broadcast %mul3A_422 : f32 to vector<16xf32>
        %mul3A_424 = arith.mulf %get3A_421, %mul3A_423 : vector<16xf32>
        %mul3A_425 = arith.constant 4 : i32
        %mul3A_426 = arith.muli %scan3A_235, %mul3A_425 : i32
        %add3A_427 = arith.constant 2 : i32
        %add3A_428 = arith.addi %mul3A_426, %add3A_427 : i32
        %swap3A_429 = arith.index_cast %add3A_428 : i32 to index
        %swap3A_430 = arith.constant 16 : index
        %swap3A_431 = tpu.vector_load %arg11[%swap3A_429, %swap3A_430] {strides = array<i32>} : memref<200x128xf32, #tpu.memory_space<vmem>>, vector<1x16xf32>,
        %swap3A_432 = vector.shape_cast %swap3A_431 : vector<1x16xf32> to vector<16xf32>
        %swap3A_433 = vector.shape_cast %mul3A_424 : vector<16xf32> to vector<1x16xf32>
        tpu.vector_store %arg11[%swap3A_429, %swap3A_430], %swap3A_433 {strides = array<i32>} : memref<200x128xf32, #tpu.memory_space<vmem>>, vector<1x16xf32>,
        %mul3A_434 = arith.constant 4 : i32
        %mul3A_435 = arith.muli %scan3A_235, %mul3A_434 : i32
        %add3A_436 = arith.constant 2 : i32
        %add3A_437 = arith.addi %mul3A_435, %add3A_436 : i32
        %get3A_438 = arith.index_cast %add3A_437 : i32 to index
        %get3A_439 = arith.constant 32 : index
        %get3A_440 = tpu.vector_load %arg11[%get3A_438, %get3A_439] {strides = array<i32>} : memref<200x128xf32, #tpu.memory_space<vmem>>, vector<1x16xf32>,
        %get3A_441 = vector.shape_cast %get3A_440 : vector<1x16xf32> to vector<16xf32>
        %mul3A_442 = arith.constant 8.000000e+00 : f32
        %mul3A_443 = vector.broadcast %mul3A_442 : f32 to vector<16xf32>
        %mul3A_444 = arith.mulf %get3A_441, %mul3A_443 : vector<16xf32>
        %mul3A_445 = arith.constant 4 : i32
        %mul3A_446 = arith.muli %scan3A_235, %mul3A_445 : i32
        %add3A_447 = arith.constant 2 : i32
        %add3A_448 = arith.addi %mul3A_446, %add3A_447 : i32
        %swap3A_449 = arith.index_cast %add3A_448 : i32 to index
        %swap3A_450 = arith.constant 32 : index
        %swap3A_451 = tpu.vector_load %arg11[%swap3A_449, %swap3A_450] {strides = array<i32>} : memref<200x128xf32, #tpu.memory_space<vmem>>, vector<1x16xf32>,
        %swap3A_452 = vector.shape_cast %swap3A_451 : vector<1x16xf32> to vector<16xf32>
        %swap3A_453 = vector.shape_cast %mul3A_444 : vector<16xf32> to vector<1x16xf32>
        tpu.vector_store %arg11[%swap3A_449, %swap3A_450], %swap3A_453 {strides = array<i32>} : memref<200x128xf32, #tpu.memory_space<vmem>>, vector<1x16xf32>,
        %mul3A_454 = arith.constant 4 : i32
        %mul3A_455 = arith.muli %scan3A_235, %mul3A_454 : i32
        %add3A_456 = arith.constant 2 : i32
        %add3A_457 = arith.addi %mul3A_455, %add3A_456 : i32
        %get3A_458 = arith.index_cast %add3A_457 : i32 to index
        %get3A_459 = arith.constant 48 : index
        %get3A_460 = tpu.vector_load %arg11[%get3A_458, %get3A_459] {strides = array<i32>} : memref<200x128xf32, #tpu.memory_space<vmem>>, vector<1x16xf32>,
        %get3A_461 = vector.shape_cast %get3A_460 : vector<1x16xf32> to vector<16xf32>
        %mul3A_462 = arith.constant 8.000000e+00 : f32
        %mul3A_463 = vector.broadcast %mul3A_462 : f32 to vector<16xf32>
        %mul3A_464 = arith.mulf %get3A_461, %mul3A_463 : vector<16xf32>
        %mul3A_465 = arith.constant 4 : i32
        %mul3A_466 = arith.muli %scan3A_235, %mul3A_465 : i32
        %add3A_467 = arith.constant 2 : i32
        %add3A_468 = arith.addi %mul3A_466, %add3A_467 : i32
        %swap3A_469 = arith.index_cast %add3A_468 : i32 to index
        %swap3A_470 = arith.constant 48 : index
        %swap3A_471 = tpu.vector_load %arg11[%swap3A_469, %swap3A_470] {strides = array<i32>} : memref<200x128xf32, #tpu.memory_space<vmem>>, vector<1x16xf32>,
        %swap3A_472 = vector.shape_cast %swap3A_471 : vector<1x16xf32> to vector<16xf32>
        %swap3A_473 = vector.shape_cast %mul3A_464 : vector<16xf32> to vector<1x16xf32>
        tpu.vector_store %arg11[%swap3A_469, %swap3A_470], %swap3A_473 {strides = array<i32>} : memref<200x128xf32, #tpu.memory_space<vmem>>, vector<1x16xf32>,
        %mul3A_474 = arith.constant 4 : i32
        %mul3A_475 = arith.muli %scan3A_235, %mul3A_474 : i32
        %add3A_476 = arith.constant 3 : i32
        %add3A_477 = arith.addi %mul3A_475, %add3A_476 : i32
        %get3A_478 = arith.index_cast %add3A_477 : i32 to index
        %get3A_479 = arith.constant 0 : index
        %get3A_480 = tpu.vector_load %arg11[%get3A_478, %get3A_479] {strides = array<i32>} : memref<200x128xf32, #tpu.memory_space<vmem>>, vector<1x16xf32>,
        %get3A_481 = vector.shape_cast %get3A_480 : vector<1x16xf32> to vector<16xf32>
        %mul3A_482 = arith.constant 8.000000e+00 : f32
        %mul3A_483 = vector.broadcast %mul3A_482 : f32 to vector<16xf32>
        %mul3A_484 = arith.mulf %get3A_481, %mul3A_483 : vector<16xf32>
        %mul3A_485 = arith.constant 4 : i32
        %mul3A_486 = arith.muli %scan3A_235, %mul3A_485 : i32
        %add3A_487 = arith.constant 3 : i32
        %add3A_488 = arith.addi %mul3A_486, %add3A_487 : i32
        %swap3A_489 = arith.index_cast %add3A_488 : i32 to index
        %swap3A_490 = arith.constant 0 : index
        %swap3A_491 = tpu.vector_load %arg11[%swap3A_489, %swap3A_490] {strides = array<i32>} : memref<200x128xf32, #tpu.memory_space<vmem>>, vector<1x16xf32>,
        %swap3A_492 = vector.shape_cast %swap3A_491 : vector<1x16xf32> to vector<16xf32>
        %swap3A_493 = vector.shape_cast %mul3A_484 : vector<16xf32> to vector<1x16xf32>
        tpu.vector_store %arg11[%swap3A_489, %swap3A_490], %swap3A_493 {strides = array<i32>} : memref<200x128xf32, #tpu.memory_space<vmem>>, vector<1x16xf32>,
        %mul3A_494 = arith.constant 4 : i32
        %mul3A_495 = arith.muli %scan3A_235, %mul3A_494 : i32
        %add3A_496 = arith.constant 3 : i32
        %add3A_497 = arith.addi %mul3A_495, %add3A_496 : i32
        %get3A_498 = arith.index_cast %add3A_497 : i32 to index
        %get3A_499 = arith.constant 16 : index
        %get3A_500 = tpu.vector_load %arg11[%get3A_498, %get3A_499] {strides = array<i32>} : memref<200x128xf32, #tpu.memory_space<vmem>>, vector<1x16xf32>,
        %get3A_501 = vector.shape_cast %get3A_500 : vector<1x16xf32> to vector<16xf32>
        %mul3A_502 = arith.constant 8.000000e+00 : f32
        %mul3A_503 = vector.broadcast %mul3A_502 : f32 to vector<16xf32>
        %mul3A_504 = arith.mulf %get3A_501, %mul3A_503 : vector<16xf32>
        %mul3A_505 = arith.constant 4 : i32
        %mul3A_506 = arith.muli %scan3A_235, %mul3A_505 : i32
        %add3A_507 = arith.constant 3 : i32
        %add3A_508 = arith.addi %mul3A_506, %add3A_507 : i32
        %swap3A_509 = arith.index_cast %add3A_508 : i32 to index
        %swap3A_510 = arith.constant 16 : index
        %swap3A_511 = tpu.vector_load %arg11[%swap3A_509, %swap3A_510] {strides = array<i32>} : memref<200x128xf32, #tpu.memory_space<vmem>>, vector<1x16xf32>,
        %swap3A_512 = vector.shape_cast %swap3A_511 : vector<1x16xf32> to vector<16xf32>
        %swap3A_513 = vector.shape_cast %mul3A_504 : vector<16xf32> to vector<1x16xf32>
        tpu.vector_store %arg11[%swap3A_509, %swap3A_510], %swap3A_513 {strides = array<i32>} : memref<200x128xf32, #tpu.memory_space<vmem>>, vector<1x16xf32>,
        %mul3A_514 = arith.constant 4 : i32
        %mul3A_515 = arith.muli %scan3A_235, %mul3A_514 : i32
        %add3A_516 = arith.constant 3 : i32
        %add3A_517 = arith.addi %mul3A_515, %add3A_516 : i32
        %get3A_518 = arith.index_cast %add3A_517 : i32 to index
        %get3A_519 = arith.constant 32 : index
        %get3A_520 = tpu.vector_load %arg11[%get3A_518, %get3A_519] {strides = array<i32>} : memref<200x128xf32, #tpu.memory_space<vmem>>, vector<1x16xf32>,
        %get3A_521 = vector.shape_cast %get3A_520 : vector<1x16xf32> to vector<16xf32>
        %mul3A_522 = arith.constant 8.000000e+00 : f32
        %mul3A_523 = vector.broadcast %mul3A_522 : f32 to vector<16xf32>
        %mul3A_524 = arith.mulf %get3A_521, %mul3A_523 : vector<16xf32>
        %mul3A_525 = arith.constant 4 : i32
        %mul3A_526 = arith.muli %scan3A_235, %mul3A_525 : i32
        %add3A_527 = arith.constant 3 : i32
        %add3A_528 = arith.addi %mul3A_526, %add3A_527 : i32
        %swap3A_529 = arith.index_cast %add3A_528 : i32 to index
        %swap3A_530 = arith.constant 32 : index
        %swap3A_531 = tpu.vector_load %arg11[%swap3A_529, %swap3A_530] {strides = array<i32>} : memref<200x128xf32, #tpu.memory_space<vmem>>, vector<1x16xf32>,
        %swap3A_532 = vector.shape_cast %swap3A_531 : vector<1x16xf32> to vector<16xf32>
        %swap3A_533 = vector.shape_cast %mul3A_524 : vector<16xf32> to vector<1x16xf32>
        tpu.vector_store %arg11[%swap3A_529, %swap3A_530], %swap3A_533 {strides = array<i32>} : memref<200x128xf32, #tpu.memory_space<vmem>>, vector<1x16xf32>,
        %mul3A_534 = arith.constant 4 : i32
        %mul3A_535 = arith.muli %scan3A_235, %mul3A_534 : i32
        %add3A_536 = arith.constant 3 : i32
        %add3A_537 = arith.addi %mul3A_535, %add3A_536 : i32
        %get3A_538 = arith.index_cast %add3A_537 : i32 to index
        %get3A_539 = arith.constant 48 : index
        %get3A_540 = tpu.vector_load %arg11[%get3A_538, %get3A_539] {strides = array<i32>} : memref<200x128xf32, #tpu.memory_space<vmem>>, vector<1x16xf32>,
        %get3A_541 = vector.shape_cast %get3A_540 : vector<1x16xf32> to vector<16xf32>
        %mul3A_542 = arith.constant 8.000000e+00 : f32
        %mul3A_543 = vector.broadcast %mul3A_542 : f32 to vector<16xf32>
        %mul3A_544 = arith.mulf %get3A_541, %mul3A_543 : vector<16xf32>
        %mul3A_545 = arith.constant 4 : i32
        %mul3A_546 = arith.muli %scan3A_235, %mul3A_545 : i32
        %add3A_547 = arith.constant 3 : i32
        %add3A_548 = arith.addi %mul3A_546, %add3A_547 : i32
        %swap3A_549 = arith.index_cast %add3A_548 : i32 to index
        %swap3A_550 = arith.constant 48 : index
        %swap3A_551 = tpu.vector_load %arg11[%swap3A_549, %swap3A_550] {strides = array<i32>} : memref<200x128xf32, #tpu.memory_space<vmem>>, vector<1x16xf32>,
        %swap3A_552 = vector.shape_cast %swap3A_551 : vector<1x16xf32> to vector<16xf32>
        %swap3A_553 = vector.shape_cast %mul3A_544 : vector<16xf32> to vector<1x16xf32>
        tpu.vector_store %arg11[%swap3A_549, %swap3A_550], %swap3A_553 {strides = array<i32>} : memref<200x128xf32, #tpu.memory_space<vmem>>, vector<1x16xf32>,
      }
      %scan3A_192 = arith.constant 50 : i32
      %dma_start3A_193 = arith.constant 0 : i32
      %dma_start3A_194 = arith.constant 0 : i32
      %dma_start3A_195 = tpu.memref_slice %arg4[%add3A_171, %dma_start3A_193, %dma_start3A_194] : memref<4096x200x128xf32, #tpu.memory_space<hbm>> -> memref<1x200x128xf32, #tpu.memory_space<hbm>>
      %dma_start3A_196 = tpu.memref_squeeze %dma_start3A_195 : memref<1x200x128xf32, #tpu.memory_space<hbm>> -> memref<200x128xf32, #tpu.memory_space<hbm>>
      %dma_start3A_197 = arith.constant 0 : i32
      %dma_start3A_198 = arith.constant 0 : i32
      %dma_start3A_199 = tpu.memref_slice %arg4[%add3A_171, %dma_start3A_197, %dma_start3A_198] : memref<4096x200x128xf32, #tpu.memory_space<hbm>> -> memref<1x200x128xf32, #tpu.memory_space<hbm>>
      %dma_start3A_200 = tpu.memref_squeeze %dma_start3A_199 : memref<1x200x128xf32, #tpu.memory_space<hbm>> -> memref<200x128xf32, #tpu.memory_space<hbm>>
      tpu.enqueue_dma source(%arg11 : memref<200x128xf32, #tpu.memory_space<vmem>>) target(%dma_start3A_200 : memref<200x128xf32, #tpu.memory_space<hbm>>) target_semaphore(%arg19 : memref<!tpu.dma_semaphore, #tpu.memory_space<semaphore_mem>>)
      %mul3A_201 = arith.constant 4 : i32
      %mul3A_202 = arith.muli %scan3A_101, %mul3A_201 : i32
      %add3A_203 = arith.constant 3 : i32
      %add3A_204 = arith.addi %mul3A_202, %add3A_203 : i32
      %add3A_205 = arith.addi %mul3A_2, %add3A_204 : i32
      %add3A_206 = arith.constant 2 : i32
      %add3A_207 = arith.addi %add3A_204, %add3A_206 : i32
      %lt3A_208 = arith.constant 128 : i32
      %lt3A_209 = arith.cmpi slt, %add3A_207, %lt3A_208 : i32
      %convert_element_type3A_210 = arith.extui %lt3A_209 : i1 to i32
      %cond3A_211 = arith.constant 0 : i32
      %cond3A_212 = arith.cmpi ne, %convert_element_type3A_210, %cond3A_211 : i32
      scf.if %cond3A_212 {
        %ge3A = arith.constant 2 : i32
        %ge3A_235 = arith.cmpi sge, %add3A_204, %ge3A : i32
        %convert_element_type3A_236 = arith.extui %ge3A_235 : i1 to i32
        %cond3A_237 = arith.constant 0 : i32
        %cond3A_238 = arith.cmpi ne, %convert_element_type3A_236, %cond3A_237 : i32
        scf.if %cond3A_238 {
          %sub3A_259 = arith.constant 2 : i32
          %sub3A_260 = arith.subi %add3A_205, %sub3A_259 : i32
          %dma_wait3A_261 = arith.constant 0 : i32
          %dma_wait3A_262 = arith.constant 0 : i32
          %dma_wait3A_263 = tpu.memref_slice %arg4[%sub3A_260, %dma_wait3A_261, %dma_wait3A_262] : memref<4096x200x128xf32, #tpu.memory_space<hbm>> -> memref<1x200x128xf32, #tpu.memory_space<hbm>>
          %dma_wait3A_264 = tpu.memref_squeeze %dma_wait3A_263 : memref<1x200x128xf32, #tpu.memory_space<hbm>> -> memref<200x128xf32, #tpu.memory_space<hbm>>
          %dma_wait3A_265 = arith.constant 0 : i32
          %dma_wait3A_266 = arith.constant 0 : i32
          %dma_wait3A_267 = tpu.memref_slice %arg4[%sub3A_260, %dma_wait3A_265, %dma_wait3A_266] : memref<4096x200x128xf32, #tpu.memory_space<hbm>> -> memref<1x200x128xf32, #tpu.memory_space<hbm>>
          %dma_wait3A_268 = tpu.memref_squeeze %dma_wait3A_267 : memref<1x200x128xf32, #tpu.memory_space<hbm>> -> memref<200x128xf32, #tpu.memory_space<hbm>>
          tpu.wait_dma2 semaphore(%arg18 : memref<!tpu.dma_semaphore, #tpu.memory_space<semaphore_mem>>) src(%arg10 : memref<200x128xf32, #tpu.memory_space<vmem>>) dst(%dma_wait3A_268 : memref<200x128xf32, #tpu.memory_space<hbm>>)
        } else {
        }
        %add3A_239 = arith.constant 2 : i32
        %add3A_240 = arith.addi %add3A_205, %add3A_239 : i32
        %mul3A_241 = arith.constant 200 : i32
        %mul3A_242 = arith.muli %add3A_240, %mul3A_241 : i32
        "tpu.region"() ({
          %run_scoped3A = tpu.sem_alloc : memref<!tpu.dma_semaphore, #tpu.memory_space<semaphore_mem>>
          %dma_start3A_259 = tpu.memref_slice %arg2[%mul3A_242] : memref<819200xi32, #tpu.memory_space<hbm>> -> memref<200xi32, #tpu.memory_space<hbm>>
          %dma_start3A_260 = tpu.memref_slice %arg2[%mul3A_242] : memref<819200xi32, #tpu.memory_space<hbm>> -> memref<200xi32, #tpu.memory_space<hbm>>
          tpu.enqueue_dma source(%dma_start3A_260 : memref<200xi32, #tpu.memory_space<hbm>>) target(%arg6 : memref<200xi32, #tpu.memory_space<vmem>>) target_semaphore(%run_scoped3A : memref<!tpu.dma_semaphore, #tpu.memory_space<semaphore_mem>>)
          %dma_wait3A_261 = tpu.memref_slice %arg2[%mul3A_242] : memref<819200xi32, #tpu.memory_space<hbm>> -> memref<200xi32, #tpu.memory_space<hbm>>
          %dma_wait3A_262 = tpu.memref_slice %arg2[%mul3A_242] : memref<819200xi32, #tpu.memory_space<hbm>> -> memref<200xi32, #tpu.memory_space<hbm>>
          tpu.wait_dma2 semaphore(%run_scoped3A : memref<!tpu.dma_semaphore, #tpu.memory_space<semaphore_mem>>) src(%dma_wait3A_262 : memref<200xi32, #tpu.memory_space<hbm>>) dst(%arg6 : memref<200xi32, #tpu.memory_space<vmem>>)
          tpu.yield
        }) : () -> ()
        %dma_start3A_243 = arith.constant 0 : i32
        %dma_start3A_244 = arith.constant 0 : i32
        %dma_start3A_245 = tpu.memref_slice %arg10[%dma_start3A_243, %dma_start3A_244] : memref<200x128xf32, #tpu.memory_space<vmem>> -> memref<128x128xf32, #tpu.memory_space<vmem>>
        %dma_start3A_246 = arith.constant 0 : i32
        %dma_start3A_247 = tpu.memref_slice %arg6[%dma_start3A_246] : memref<200xi32, #tpu.memory_space<vmem>> -> memref<128xi32, #tpu.memory_space<vmem>>
        %dma_start3A_248 = arith.constant 0 : i32
        %dma_start3A_249 = arith.constant 0 : i32
        %dma_start3A_250 = tpu.memref_slice %arg3[%dma_start3A_248, %dma_start3A_249] : memref<1000000x128xf32, #tpu.memory_space<hbm>> -> memref<1000000x128xf32, #tpu.memory_space<hbm>>
        tpu.enqueue_indirect_dma source(%dma_start3A_250 : memref<1000000x128xf32, #tpu.memory_space<hbm>>) target(%dma_start3A_245 : memref<128x128xf32, #tpu.memory_space<vmem>>) offsets(%dma_start3A_247 : memref<128xi32, #tpu.memory_space<vmem>>) semaphore(%arg14 : memref<!tpu.dma_semaphore, #tpu.memory_space<semaphore_mem>>)
        %dma_start3A_251 = arith.constant 128 : i32
        %dma_start3A_252 = arith.constant 0 : i32
        %dma_start3A_253 = tpu.memref_slice %arg10[%dma_start3A_251, %dma_start3A_252] : memref<200x128xf32, #tpu.memory_space<vmem>> -> memref<72x128xf32, #tpu.memory_space<vmem>>
        %dma_start3A_254 = arith.constant 128 : i32
        %dma_start3A_255 = tpu.memref_slice %arg6[%dma_start3A_254] : memref<200xi32, #tpu.memory_space<vmem>> -> memref<72xi32, #tpu.memory_space<vmem>>
        %dma_start3A_256 = arith.constant 0 : i32
        %dma_start3A_257 = arith.constant 0 : i32
        %dma_start3A_258 = tpu.memref_slice %arg3[%dma_start3A_256, %dma_start3A_257] : memref<1000000x128xf32, #tpu.memory_space<hbm>> -> memref<1000000x128xf32, #tpu.memory_space<hbm>>
        tpu.enqueue_indirect_dma source(%dma_start3A_258 : memref<1000000x128xf32, #tpu.memory_space<hbm>>) target(%dma_start3A_253 : memref<72x128xf32, #tpu.memory_space<vmem>>) offsets(%dma_start3A_255 : memref<72xi32, #tpu.memory_space<vmem>>) semaphore(%arg14 : memref<!tpu.dma_semaphore, #tpu.memory_space<semaphore_mem>>)
      } else {
      }
      %dma_wait3A_213 = arith.constant 0 : i32
      %dma_wait3A_214 = arith.constant 0 : i32
      %dma_wait3A_215 = tpu.memref_slice %arg4[%add3A_205, %dma_wait3A_213, %dma_wait3A_214] : memref<4096x200x128xf32, #tpu.memory_space<hbm>> -> memref<1x200x128xf32, #tpu.memory_space<hbm>>
      %dma_wait3A_216 = tpu.memref_squeeze %dma_wait3A_215 : memref<1x200x128xf32, #tpu.memory_space<hbm>> -> memref<200x128xf32, #tpu.memory_space<hbm>>
      %dma_wait3A_217 = arith.constant 0 : i32
      %dma_wait3A_218 = arith.constant 0 : i32
      %dma_wait3A_219 = tpu.memref_slice %arg4[%add3A_205, %dma_wait3A_217, %dma_wait3A_218] : memref<4096x200x128xf32, #tpu.memory_space<hbm>> -> memref<1x200x128xf32, #tpu.memory_space<hbm>>
      %dma_wait3A_220 = tpu.memref_squeeze %dma_wait3A_219 : memref<1x200x128xf32, #tpu.memory_space<hbm>> -> memref<200x128xf32, #tpu.memory_space<hbm>>
      tpu.wait_dma2 semaphore(%arg16 : memref<!tpu.dma_semaphore, #tpu.memory_space<semaphore_mem>>) src(%dma_wait3A_220 : memref<200x128xf32, #tpu.memory_space<hbm>>) dst(%arg12 : memref<200x128xf32, #tpu.memory_space<vmem>>)
      %scan3A_221 = arith.constant 0 : i32
      %scan3A_222 = arith.constant 0 : i32
      %scan3A_223 = arith.constant 50 : i32
      %scan3A_224 = arith.addi %scan3A_222, %scan3A_223 : i32
      %scan3A_225 = arith.constant 1 : i32
      scf.for %scan3A_235 = %scan3A_222 to %scan3A_224 step %scan3A_225  : i32 {
        %mul3A_236 = arith.constant 4 : i32
        %mul3A_237 = arith.muli %scan3A_235, %mul3A_236 : i32
        %add3A_238 = arith.constant 0 : i32
        %add3A_239 = arith.addi %mul3A_237, %add3A_238 : i32
        %get3A = arith.index_cast %add3A_239 : i32 to index
        %get3A_240 = arith.constant 0 : index
        %get3A_241 = tpu.vector_load %arg12[%get3A, %get3A_240] {strides = array<i32>} : memref<200x128xf32, #tpu.memory_space<vmem>>, vector<1x16xf32>,
        %get3A_242 = vector.shape_cast %get3A_241 : vector<1x16xf32> to vector<16xf32>
        %mul3A_243 = arith.constant 8.000000e+00 : f32
        %mul3A_244 = vector.broadcast %mul3A_243 : f32 to vector<16xf32>
        %mul3A_245 = arith.mulf %get3A_242, %mul3A_244 : vector<16xf32>
        %mul3A_246 = arith.constant 4 : i32
        %mul3A_247 = arith.muli %scan3A_235, %mul3A_246 : i32
        %add3A_248 = arith.constant 0 : i32
        %add3A_249 = arith.addi %mul3A_247, %add3A_248 : i32
        %swap3A = arith.index_cast %add3A_249 : i32 to index
        %swap3A_250 = arith.constant 0 : index
        %swap3A_251 = tpu.vector_load %arg12[%swap3A, %swap3A_250] {strides = array<i32>} : memref<200x128xf32, #tpu.memory_space<vmem>>, vector<1x16xf32>,
        %swap3A_252 = vector.shape_cast %swap3A_251 : vector<1x16xf32> to vector<16xf32>
        %swap3A_253 = vector.shape_cast %mul3A_245 : vector<16xf32> to vector<1x16xf32>
        tpu.vector_store %arg12[%swap3A, %swap3A_250], %swap3A_253 {strides = array<i32>} : memref<200x128xf32, #tpu.memory_space<vmem>>, vector<1x16xf32>,
        %mul3A_254 = arith.constant 4 : i32
        %mul3A_255 = arith.muli %scan3A_235, %mul3A_254 : i32
        %add3A_256 = arith.constant 0 : i32
        %add3A_257 = arith.addi %mul3A_255, %add3A_256 : i32
        %get3A_258 = arith.index_cast %add3A_257 : i32 to index
        %get3A_259 = arith.constant 16 : index
        %get3A_260 = tpu.vector_load %arg12[%get3A_258, %get3A_259] {strides = array<i32>} : memref<200x128xf32, #tpu.memory_space<vmem>>, vector<1x16xf32>,
        %get3A_261 = vector.shape_cast %get3A_260 : vector<1x16xf32> to vector<16xf32>
        %mul3A_262 = arith.constant 8.000000e+00 : f32
        %mul3A_263 = vector.broadcast %mul3A_262 : f32 to vector<16xf32>
        %mul3A_264 = arith.mulf %get3A_261, %mul3A_263 : vector<16xf32>
        %mul3A_265 = arith.constant 4 : i32
        %mul3A_266 = arith.muli %scan3A_235, %mul3A_265 : i32
        %add3A_267 = arith.constant 0 : i32
        %add3A_268 = arith.addi %mul3A_266, %add3A_267 : i32
        %swap3A_269 = arith.index_cast %add3A_268 : i32 to index
        %swap3A_270 = arith.constant 16 : index
        %swap3A_271 = tpu.vector_load %arg12[%swap3A_269, %swap3A_270] {strides = array<i32>} : memref<200x128xf32, #tpu.memory_space<vmem>>, vector<1x16xf32>,
        %swap3A_272 = vector.shape_cast %swap3A_271 : vector<1x16xf32> to vector<16xf32>
        %swap3A_273 = vector.shape_cast %mul3A_264 : vector<16xf32> to vector<1x16xf32>
        tpu.vector_store %arg12[%swap3A_269, %swap3A_270], %swap3A_273 {strides = array<i32>} : memref<200x128xf32, #tpu.memory_space<vmem>>, vector<1x16xf32>,
        %mul3A_274 = arith.constant 4 : i32
        %mul3A_275 = arith.muli %scan3A_235, %mul3A_274 : i32
        %add3A_276 = arith.constant 0 : i32
        %add3A_277 = arith.addi %mul3A_275, %add3A_276 : i32
        %get3A_278 = arith.index_cast %add3A_277 : i32 to index
        %get3A_279 = arith.constant 32 : index
        %get3A_280 = tpu.vector_load %arg12[%get3A_278, %get3A_279] {strides = array<i32>} : memref<200x128xf32, #tpu.memory_space<vmem>>, vector<1x16xf32>,
        %get3A_281 = vector.shape_cast %get3A_280 : vector<1x16xf32> to vector<16xf32>
        %mul3A_282 = arith.constant 8.000000e+00 : f32
        %mul3A_283 = vector.broadcast %mul3A_282 : f32 to vector<16xf32>
        %mul3A_284 = arith.mulf %get3A_281, %mul3A_283 : vector<16xf32>
        %mul3A_285 = arith.constant 4 : i32
        %mul3A_286 = arith.muli %scan3A_235, %mul3A_285 : i32
        %add3A_287 = arith.constant 0 : i32
        %add3A_288 = arith.addi %mul3A_286, %add3A_287 : i32
        %swap3A_289 = arith.index_cast %add3A_288 : i32 to index
        %swap3A_290 = arith.constant 32 : index
        %swap3A_291 = tpu.vector_load %arg12[%swap3A_289, %swap3A_290] {strides = array<i32>} : memref<200x128xf32, #tpu.memory_space<vmem>>, vector<1x16xf32>,
        %swap3A_292 = vector.shape_cast %swap3A_291 : vector<1x16xf32> to vector<16xf32>
        %swap3A_293 = vector.shape_cast %mul3A_284 : vector<16xf32> to vector<1x16xf32>
        tpu.vector_store %arg12[%swap3A_289, %swap3A_290], %swap3A_293 {strides = array<i32>} : memref<200x128xf32, #tpu.memory_space<vmem>>, vector<1x16xf32>,
        %mul3A_294 = arith.constant 4 : i32
        %mul3A_295 = arith.muli %scan3A_235, %mul3A_294 : i32
        %add3A_296 = arith.constant 0 : i32
        %add3A_297 = arith.addi %mul3A_295, %add3A_296 : i32
        %get3A_298 = arith.index_cast %add3A_297 : i32 to index
        %get3A_299 = arith.constant 48 : index
        %get3A_300 = tpu.vector_load %arg12[%get3A_298, %get3A_299] {strides = array<i32>} : memref<200x128xf32, #tpu.memory_space<vmem>>, vector<1x16xf32>,
        %get3A_301 = vector.shape_cast %get3A_300 : vector<1x16xf32> to vector<16xf32>
        %mul3A_302 = arith.constant 8.000000e+00 : f32
        %mul3A_303 = vector.broadcast %mul3A_302 : f32 to vector<16xf32>
        %mul3A_304 = arith.mulf %get3A_301, %mul3A_303 : vector<16xf32>
        %mul3A_305 = arith.constant 4 : i32
        %mul3A_306 = arith.muli %scan3A_235, %mul3A_305 : i32
        %add3A_307 = arith.constant 0 : i32
        %add3A_308 = arith.addi %mul3A_306, %add3A_307 : i32
        %swap3A_309 = arith.index_cast %add3A_308 : i32 to index
        %swap3A_310 = arith.constant 48 : index
        %swap3A_311 = tpu.vector_load %arg12[%swap3A_309, %swap3A_310] {strides = array<i32>} : memref<200x128xf32, #tpu.memory_space<vmem>>, vector<1x16xf32>,
        %swap3A_312 = vector.shape_cast %swap3A_311 : vector<1x16xf32> to vector<16xf32>
        %swap3A_313 = vector.shape_cast %mul3A_304 : vector<16xf32> to vector<1x16xf32>
        tpu.vector_store %arg12[%swap3A_309, %swap3A_310], %swap3A_313 {strides = array<i32>} : memref<200x128xf32, #tpu.memory_space<vmem>>, vector<1x16xf32>,
        %mul3A_314 = arith.constant 4 : i32
        %mul3A_315 = arith.muli %scan3A_235, %mul3A_314 : i32
        %add3A_316 = arith.constant 1 : i32
        %add3A_317 = arith.addi %mul3A_315, %add3A_316 : i32
        %get3A_318 = arith.index_cast %add3A_317 : i32 to index
        %get3A_319 = arith.constant 0 : index
        %get3A_320 = tpu.vector_load %arg12[%get3A_318, %get3A_319] {strides = array<i32>} : memref<200x128xf32, #tpu.memory_space<vmem>>, vector<1x16xf32>,
        %get3A_321 = vector.shape_cast %get3A_320 : vector<1x16xf32> to vector<16xf32>
        %mul3A_322 = arith.constant 8.000000e+00 : f32
        %mul3A_323 = vector.broadcast %mul3A_322 : f32 to vector<16xf32>
        %mul3A_324 = arith.mulf %get3A_321, %mul3A_323 : vector<16xf32>
        %mul3A_325 = arith.constant 4 : i32
        %mul3A_326 = arith.muli %scan3A_235, %mul3A_325 : i32
        %add3A_327 = arith.constant 1 : i32
        %add3A_328 = arith.addi %mul3A_326, %add3A_327 : i32
        %swap3A_329 = arith.index_cast %add3A_328 : i32 to index
        %swap3A_330 = arith.constant 0 : index
        %swap3A_331 = tpu.vector_load %arg12[%swap3A_329, %swap3A_330] {strides = array<i32>} : memref<200x128xf32, #tpu.memory_space<vmem>>, vector<1x16xf32>,
        %swap3A_332 = vector.shape_cast %swap3A_331 : vector<1x16xf32> to vector<16xf32>
        %swap3A_333 = vector.shape_cast %mul3A_324 : vector<16xf32> to vector<1x16xf32>
        tpu.vector_store %arg12[%swap3A_329, %swap3A_330], %swap3A_333 {strides = array<i32>} : memref<200x128xf32, #tpu.memory_space<vmem>>, vector<1x16xf32>,
        %mul3A_334 = arith.constant 4 : i32
        %mul3A_335 = arith.muli %scan3A_235, %mul3A_334 : i32
        %add3A_336 = arith.constant 1 : i32
        %add3A_337 = arith.addi %mul3A_335, %add3A_336 : i32
        %get3A_338 = arith.index_cast %add3A_337 : i32 to index
        %get3A_339 = arith.constant 16 : index
        %get3A_340 = tpu.vector_load %arg12[%get3A_338, %get3A_339] {strides = array<i32>} : memref<200x128xf32, #tpu.memory_space<vmem>>, vector<1x16xf32>,
        %get3A_341 = vector.shape_cast %get3A_340 : vector<1x16xf32> to vector<16xf32>
        %mul3A_342 = arith.constant 8.000000e+00 : f32
        %mul3A_343 = vector.broadcast %mul3A_342 : f32 to vector<16xf32>
        %mul3A_344 = arith.mulf %get3A_341, %mul3A_343 : vector<16xf32>
        %mul3A_345 = arith.constant 4 : i32
        %mul3A_346 = arith.muli %scan3A_235, %mul3A_345 : i32
        %add3A_347 = arith.constant 1 : i32
        %add3A_348 = arith.addi %mul3A_346, %add3A_347 : i32
        %swap3A_349 = arith.index_cast %add3A_348 : i32 to index
        %swap3A_350 = arith.constant 16 : index
        %swap3A_351 = tpu.vector_load %arg12[%swap3A_349, %swap3A_350] {strides = array<i32>} : memref<200x128xf32, #tpu.memory_space<vmem>>, vector<1x16xf32>,
        %swap3A_352 = vector.shape_cast %swap3A_351 : vector<1x16xf32> to vector<16xf32>
        %swap3A_353 = vector.shape_cast %mul3A_344 : vector<16xf32> to vector<1x16xf32>
        tpu.vector_store %arg12[%swap3A_349, %swap3A_350], %swap3A_353 {strides = array<i32>} : memref<200x128xf32, #tpu.memory_space<vmem>>, vector<1x16xf32>,
        %mul3A_354 = arith.constant 4 : i32
        %mul3A_355 = arith.muli %scan3A_235, %mul3A_354 : i32
        %add3A_356 = arith.constant 1 : i32
        %add3A_357 = arith.addi %mul3A_355, %add3A_356 : i32
        %get3A_358 = arith.index_cast %add3A_357 : i32 to index
        %get3A_359 = arith.constant 32 : index
        %get3A_360 = tpu.vector_load %arg12[%get3A_358, %get3A_359] {strides = array<i32>} : memref<200x128xf32, #tpu.memory_space<vmem>>, vector<1x16xf32>,
        %get3A_361 = vector.shape_cast %get3A_360 : vector<1x16xf32> to vector<16xf32>
        %mul3A_362 = arith.constant 8.000000e+00 : f32
        %mul3A_363 = vector.broadcast %mul3A_362 : f32 to vector<16xf32>
        %mul3A_364 = arith.mulf %get3A_361, %mul3A_363 : vector<16xf32>
        %mul3A_365 = arith.constant 4 : i32
        %mul3A_366 = arith.muli %scan3A_235, %mul3A_365 : i32
        %add3A_367 = arith.constant 1 : i32
        %add3A_368 = arith.addi %mul3A_366, %add3A_367 : i32
        %swap3A_369 = arith.index_cast %add3A_368 : i32 to index
        %swap3A_370 = arith.constant 32 : index
        %swap3A_371 = tpu.vector_load %arg12[%swap3A_369, %swap3A_370] {strides = array<i32>} : memref<200x128xf32, #tpu.memory_space<vmem>>, vector<1x16xf32>,
        %swap3A_372 = vector.shape_cast %swap3A_371 : vector<1x16xf32> to vector<16xf32>
        %swap3A_373 = vector.shape_cast %mul3A_364 : vector<16xf32> to vector<1x16xf32>
        tpu.vector_store %arg12[%swap3A_369, %swap3A_370], %swap3A_373 {strides = array<i32>} : memref<200x128xf32, #tpu.memory_space<vmem>>, vector<1x16xf32>,
        %mul3A_374 = arith.constant 4 : i32
        %mul3A_375 = arith.muli %scan3A_235, %mul3A_374 : i32
        %add3A_376 = arith.constant 1 : i32
        %add3A_377 = arith.addi %mul3A_375, %add3A_376 : i32
        %get3A_378 = arith.index_cast %add3A_377 : i32 to index
        %get3A_379 = arith.constant 48 : index
        %get3A_380 = tpu.vector_load %arg12[%get3A_378, %get3A_379] {strides = array<i32>} : memref<200x128xf32, #tpu.memory_space<vmem>>, vector<1x16xf32>,
        %get3A_381 = vector.shape_cast %get3A_380 : vector<1x16xf32> to vector<16xf32>
        %mul3A_382 = arith.constant 8.000000e+00 : f32
        %mul3A_383 = vector.broadcast %mul3A_382 : f32 to vector<16xf32>
        %mul3A_384 = arith.mulf %get3A_381, %mul3A_383 : vector<16xf32>
        %mul3A_385 = arith.constant 4 : i32
        %mul3A_386 = arith.muli %scan3A_235, %mul3A_385 : i32
        %add3A_387 = arith.constant 1 : i32
        %add3A_388 = arith.addi %mul3A_386, %add3A_387 : i32
        %swap3A_389 = arith.index_cast %add3A_388 : i32 to index
        %swap3A_390 = arith.constant 48 : index
        %swap3A_391 = tpu.vector_load %arg12[%swap3A_389, %swap3A_390] {strides = array<i32>} : memref<200x128xf32, #tpu.memory_space<vmem>>, vector<1x16xf32>,
        %swap3A_392 = vector.shape_cast %swap3A_391 : vector<1x16xf32> to vector<16xf32>
        %swap3A_393 = vector.shape_cast %mul3A_384 : vector<16xf32> to vector<1x16xf32>
        tpu.vector_store %arg12[%swap3A_389, %swap3A_390], %swap3A_393 {strides = array<i32>} : memref<200x128xf32, #tpu.memory_space<vmem>>, vector<1x16xf32>,
        %mul3A_394 = arith.constant 4 : i32
        %mul3A_395 = arith.muli %scan3A_235, %mul3A_394 : i32
        %add3A_396 = arith.constant 2 : i32
        %add3A_397 = arith.addi %mul3A_395, %add3A_396 : i32
        %get3A_398 = arith.index_cast %add3A_397 : i32 to index
        %get3A_399 = arith.constant 0 : index
        %get3A_400 = tpu.vector_load %arg12[%get3A_398, %get3A_399] {strides = array<i32>} : memref<200x128xf32, #tpu.memory_space<vmem>>, vector<1x16xf32>,
        %get3A_401 = vector.shape_cast %get3A_400 : vector<1x16xf32> to vector<16xf32>
        %mul3A_402 = arith.constant 8.000000e+00 : f32
        %mul3A_403 = vector.broadcast %mul3A_402 : f32 to vector<16xf32>
        %mul3A_404 = arith.mulf %get3A_401, %mul3A_403 : vector<16xf32>
        %mul3A_405 = arith.constant 4 : i32
        %mul3A_406 = arith.muli %scan3A_235, %mul3A_405 : i32
        %add3A_407 = arith.constant 2 : i32
        %add3A_408 = arith.addi %mul3A_406, %add3A_407 : i32
        %swap3A_409 = arith.index_cast %add3A_408 : i32 to index
        %swap3A_410 = arith.constant 0 : index
        %swap3A_411 = tpu.vector_load %arg12[%swap3A_409, %swap3A_410] {strides = array<i32>} : memref<200x128xf32, #tpu.memory_space<vmem>>, vector<1x16xf32>,
        %swap3A_412 = vector.shape_cast %swap3A_411 : vector<1x16xf32> to vector<16xf32>
        %swap3A_413 = vector.shape_cast %mul3A_404 : vector<16xf32> to vector<1x16xf32>
        tpu.vector_store %arg12[%swap3A_409, %swap3A_410], %swap3A_413 {strides = array<i32>} : memref<200x128xf32, #tpu.memory_space<vmem>>, vector<1x16xf32>,
        %mul3A_414 = arith.constant 4 : i32
        %mul3A_415 = arith.muli %scan3A_235, %mul3A_414 : i32
        %add3A_416 = arith.constant 2 : i32
        %add3A_417 = arith.addi %mul3A_415, %add3A_416 : i32
        %get3A_418 = arith.index_cast %add3A_417 : i32 to index
        %get3A_419 = arith.constant 16 : index
        %get3A_420 = tpu.vector_load %arg12[%get3A_418, %get3A_419] {strides = array<i32>} : memref<200x128xf32, #tpu.memory_space<vmem>>, vector<1x16xf32>,
        %get3A_421 = vector.shape_cast %get3A_420 : vector<1x16xf32> to vector<16xf32>
        %mul3A_422 = arith.constant 8.000000e+00 : f32
        %mul3A_423 = vector.broadcast %mul3A_422 : f32 to vector<16xf32>
        %mul3A_424 = arith.mulf %get3A_421, %mul3A_423 : vector<16xf32>
        %mul3A_425 = arith.constant 4 : i32
        %mul3A_426 = arith.muli %scan3A_235, %mul3A_425 : i32
        %add3A_427 = arith.constant 2 : i32
        %add3A_428 = arith.addi %mul3A_426, %add3A_427 : i32
        %swap3A_429 = arith.index_cast %add3A_428 : i32 to index
        %swap3A_430 = arith.constant 16 : index
        %swap3A_431 = tpu.vector_load %arg12[%swap3A_429, %swap3A_430] {strides = array<i32>} : memref<200x128xf32, #tpu.memory_space<vmem>>, vector<1x16xf32>,
        %swap3A_432 = vector.shape_cast %swap3A_431 : vector<1x16xf32> to vector<16xf32>
        %swap3A_433 = vector.shape_cast %mul3A_424 : vector<16xf32> to vector<1x16xf32>
        tpu.vector_store %arg12[%swap3A_429, %swap3A_430], %swap3A_433 {strides = array<i32>} : memref<200x128xf32, #tpu.memory_space<vmem>>, vector<1x16xf32>,
        %mul3A_434 = arith.constant 4 : i32
        %mul3A_435 = arith.muli %scan3A_235, %mul3A_434 : i32
        %add3A_436 = arith.constant 2 : i32
        %add3A_437 = arith.addi %mul3A_435, %add3A_436 : i32
        %get3A_438 = arith.index_cast %add3A_437 : i32 to index
        %get3A_439 = arith.constant 32 : index
        %get3A_440 = tpu.vector_load %arg12[%get3A_438, %get3A_439] {strides = array<i32>} : memref<200x128xf32, #tpu.memory_space<vmem>>, vector<1x16xf32>,
        %get3A_441 = vector.shape_cast %get3A_440 : vector<1x16xf32> to vector<16xf32>
        %mul3A_442 = arith.constant 8.000000e+00 : f32
        %mul3A_443 = vector.broadcast %mul3A_442 : f32 to vector<16xf32>
        %mul3A_444 = arith.mulf %get3A_441, %mul3A_443 : vector<16xf32>
        %mul3A_445 = arith.constant 4 : i32
        %mul3A_446 = arith.muli %scan3A_235, %mul3A_445 : i32
        %add3A_447 = arith.constant 2 : i32
        %add3A_448 = arith.addi %mul3A_446, %add3A_447 : i32
        %swap3A_449 = arith.index_cast %add3A_448 : i32 to index
        %swap3A_450 = arith.constant 32 : index
        %swap3A_451 = tpu.vector_load %arg12[%swap3A_449, %swap3A_450] {strides = array<i32>} : memref<200x128xf32, #tpu.memory_space<vmem>>, vector<1x16xf32>,
        %swap3A_452 = vector.shape_cast %swap3A_451 : vector<1x16xf32> to vector<16xf32>
        %swap3A_453 = vector.shape_cast %mul3A_444 : vector<16xf32> to vector<1x16xf32>
        tpu.vector_store %arg12[%swap3A_449, %swap3A_450], %swap3A_453 {strides = array<i32>} : memref<200x128xf32, #tpu.memory_space<vmem>>, vector<1x16xf32>,
        %mul3A_454 = arith.constant 4 : i32
        %mul3A_455 = arith.muli %scan3A_235, %mul3A_454 : i32
        %add3A_456 = arith.constant 2 : i32
        %add3A_457 = arith.addi %mul3A_455, %add3A_456 : i32
        %get3A_458 = arith.index_cast %add3A_457 : i32 to index
        %get3A_459 = arith.constant 48 : index
        %get3A_460 = tpu.vector_load %arg12[%get3A_458, %get3A_459] {strides = array<i32>} : memref<200x128xf32, #tpu.memory_space<vmem>>, vector<1x16xf32>,
        %get3A_461 = vector.shape_cast %get3A_460 : vector<1x16xf32> to vector<16xf32>
        %mul3A_462 = arith.constant 8.000000e+00 : f32
        %mul3A_463 = vector.broadcast %mul3A_462 : f32 to vector<16xf32>
        %mul3A_464 = arith.mulf %get3A_461, %mul3A_463 : vector<16xf32>
        %mul3A_465 = arith.constant 4 : i32
        %mul3A_466 = arith.muli %scan3A_235, %mul3A_465 : i32
        %add3A_467 = arith.constant 2 : i32
        %add3A_468 = arith.addi %mul3A_466, %add3A_467 : i32
        %swap3A_469 = arith.index_cast %add3A_468 : i32 to index
        %swap3A_470 = arith.constant 48 : index
        %swap3A_471 = tpu.vector_load %arg12[%swap3A_469, %swap3A_470] {strides = array<i32>} : memref<200x128xf32, #tpu.memory_space<vmem>>, vector<1x16xf32>,
        %swap3A_472 = vector.shape_cast %swap3A_471 : vector<1x16xf32> to vector<16xf32>
        %swap3A_473 = vector.shape_cast %mul3A_464 : vector<16xf32> to vector<1x16xf32>
        tpu.vector_store %arg12[%swap3A_469, %swap3A_470], %swap3A_473 {strides = array<i32>} : memref<200x128xf32, #tpu.memory_space<vmem>>, vector<1x16xf32>,
        %mul3A_474 = arith.constant 4 : i32
        %mul3A_475 = arith.muli %scan3A_235, %mul3A_474 : i32
        %add3A_476 = arith.constant 3 : i32
        %add3A_477 = arith.addi %mul3A_475, %add3A_476 : i32
        %get3A_478 = arith.index_cast %add3A_477 : i32 to index
        %get3A_479 = arith.constant 0 : index
        %get3A_480 = tpu.vector_load %arg12[%get3A_478, %get3A_479] {strides = array<i32>} : memref<200x128xf32, #tpu.memory_space<vmem>>, vector<1x16xf32>,
        %get3A_481 = vector.shape_cast %get3A_480 : vector<1x16xf32> to vector<16xf32>
        %mul3A_482 = arith.constant 8.000000e+00 : f32
        %mul3A_483 = vector.broadcast %mul3A_482 : f32 to vector<16xf32>
        %mul3A_484 = arith.mulf %get3A_481, %mul3A_483 : vector<16xf32>
        %mul3A_485 = arith.constant 4 : i32
        %mul3A_486 = arith.muli %scan3A_235, %mul3A_485 : i32
        %add3A_487 = arith.constant 3 : i32
        %add3A_488 = arith.addi %mul3A_486, %add3A_487 : i32
        %swap3A_489 = arith.index_cast %add3A_488 : i32 to index
        %swap3A_490 = arith.constant 0 : index
        %swap3A_491 = tpu.vector_load %arg12[%swap3A_489, %swap3A_490] {strides = array<i32>} : memref<200x128xf32, #tpu.memory_space<vmem>>, vector<1x16xf32>,
        %swap3A_492 = vector.shape_cast %swap3A_491 : vector<1x16xf32> to vector<16xf32>
        %swap3A_493 = vector.shape_cast %mul3A_484 : vector<16xf32> to vector<1x16xf32>
        tpu.vector_store %arg12[%swap3A_489, %swap3A_490], %swap3A_493 {strides = array<i32>} : memref<200x128xf32, #tpu.memory_space<vmem>>, vector<1x16xf32>,
        %mul3A_494 = arith.constant 4 : i32
        %mul3A_495 = arith.muli %scan3A_235, %mul3A_494 : i32
        %add3A_496 = arith.constant 3 : i32
        %add3A_497 = arith.addi %mul3A_495, %add3A_496 : i32
        %get3A_498 = arith.index_cast %add3A_497 : i32 to index
        %get3A_499 = arith.constant 16 : index
        %get3A_500 = tpu.vector_load %arg12[%get3A_498, %get3A_499] {strides = array<i32>} : memref<200x128xf32, #tpu.memory_space<vmem>>, vector<1x16xf32>,
        %get3A_501 = vector.shape_cast %get3A_500 : vector<1x16xf32> to vector<16xf32>
        %mul3A_502 = arith.constant 8.000000e+00 : f32
        %mul3A_503 = vector.broadcast %mul3A_502 : f32 to vector<16xf32>
        %mul3A_504 = arith.mulf %get3A_501, %mul3A_503 : vector<16xf32>
        %mul3A_505 = arith.constant 4 : i32
        %mul3A_506 = arith.muli %scan3A_235, %mul3A_505 : i32
        %add3A_507 = arith.constant 3 : i32
        %add3A_508 = arith.addi %mul3A_506, %add3A_507 : i32
        %swap3A_509 = arith.index_cast %add3A_508 : i32 to index
        %swap3A_510 = arith.constant 16 : index
        %swap3A_511 = tpu.vector_load %arg12[%swap3A_509, %swap3A_510] {strides = array<i32>} : memref<200x128xf32, #tpu.memory_space<vmem>>, vector<1x16xf32>,
        %swap3A_512 = vector.shape_cast %swap3A_511 : vector<1x16xf32> to vector<16xf32>
        %swap3A_513 = vector.shape_cast %mul3A_504 : vector<16xf32> to vector<1x16xf32>
        tpu.vector_store %arg12[%swap3A_509, %swap3A_510], %swap3A_513 {strides = array<i32>} : memref<200x128xf32, #tpu.memory_space<vmem>>, vector<1x16xf32>,
        %mul3A_514 = arith.constant 4 : i32
        %mul3A_515 = arith.muli %scan3A_235, %mul3A_514 : i32
        %add3A_516 = arith.constant 3 : i32
        %add3A_517 = arith.addi %mul3A_515, %add3A_516 : i32
        %get3A_518 = arith.index_cast %add3A_517 : i32 to index
        %get3A_519 = arith.constant 32 : index
        %get3A_520 = tpu.vector_load %arg12[%get3A_518, %get3A_519] {strides = array<i32>} : memref<200x128xf32, #tpu.memory_space<vmem>>, vector<1x16xf32>,
        %get3A_521 = vector.shape_cast %get3A_520 : vector<1x16xf32> to vector<16xf32>
        %mul3A_522 = arith.constant 8.000000e+00 : f32
        %mul3A_523 = vector.broadcast %mul3A_522 : f32 to vector<16xf32>
        %mul3A_524 = arith.mulf %get3A_521, %mul3A_523 : vector<16xf32>
        %mul3A_525 = arith.constant 4 : i32
        %mul3A_526 = arith.muli %scan3A_235, %mul3A_525 : i32
        %add3A_527 = arith.constant 3 : i32
        %add3A_528 = arith.addi %mul3A_526, %add3A_527 : i32
        %swap3A_529 = arith.index_cast %add3A_528 : i32 to index
        %swap3A_530 = arith.constant 32 : index
        %swap3A_531 = tpu.vector_load %arg12[%swap3A_529, %swap3A_530] {strides = array<i32>} : memref<200x128xf32, #tpu.memory_space<vmem>>, vector<1x16xf32>,
        %swap3A_532 = vector.shape_cast %swap3A_531 : vector<1x16xf32> to vector<16xf32>
        %swap3A_533 = vector.shape_cast %mul3A_524 : vector<16xf32> to vector<1x16xf32>
        tpu.vector_store %arg12[%swap3A_529, %swap3A_530], %swap3A_533 {strides = array<i32>} : memref<200x128xf32, #tpu.memory_space<vmem>>, vector<1x16xf32>,
        %mul3A_534 = arith.constant 4 : i32
        %mul3A_535 = arith.muli %scan3A_235, %mul3A_534 : i32
        %add3A_536 = arith.constant 3 : i32
        %add3A_537 = arith.addi %mul3A_535, %add3A_536 : i32
        %get3A_538 = arith.index_cast %add3A_537 : i32 to index
        %get3A_539 = arith.constant 48 : index
        %get3A_540 = tpu.vector_load %arg12[%get3A_538, %get3A_539] {strides = array<i32>} : memref<200x128xf32, #tpu.memory_space<vmem>>, vector<1x16xf32>,
        %get3A_541 = vector.shape_cast %get3A_540 : vector<1x16xf32> to vector<16xf32>
        %mul3A_542 = arith.constant 8.000000e+00 : f32
        %mul3A_543 = vector.broadcast %mul3A_542 : f32 to vector<16xf32>
        %mul3A_544 = arith.mulf %get3A_541, %mul3A_543 : vector<16xf32>
        %mul3A_545 = arith.constant 4 : i32
        %mul3A_546 = arith.muli %scan3A_235, %mul3A_545 : i32
        %add3A_547 = arith.constant 3 : i32
        %add3A_548 = arith.addi %mul3A_546, %add3A_547 : i32
        %swap3A_549 = arith.index_cast %add3A_548 : i32 to index
        %swap3A_550 = arith.constant 48 : index
        %swap3A_551 = tpu.vector_load %arg12[%swap3A_549, %swap3A_550] {strides = array<i32>} : memref<200x128xf32, #tpu.memory_space<vmem>>, vector<1x16xf32>,
        %swap3A_552 = vector.shape_cast %swap3A_551 : vector<1x16xf32> to vector<16xf32>
        %swap3A_553 = vector.shape_cast %mul3A_544 : vector<16xf32> to vector<1x16xf32>
        tpu.vector_store %arg12[%swap3A_549, %swap3A_550], %swap3A_553 {strides = array<i32>} : memref<200x128xf32, #tpu.memory_space<vmem>>, vector<1x16xf32>,
      }
      %scan3A_226 = arith.constant 50 : i32
      %dma_start3A_227 = arith.constant 0 : i32
      %dma_start3A_228 = arith.constant 0 : i32
      %dma_start3A_229 = tpu.memref_slice %arg4[%add3A_205, %dma_start3A_227, %dma_start3A_228] : memref<4096x200x128xf32, #tpu.memory_space<hbm>> -> memref<1x200x128xf32, #tpu.memory_space<hbm>>
      %dma_start3A_230 = tpu.memref_squeeze %dma_start3A_229 : memref<1x200x128xf32, #tpu.memory_space<hbm>> -> memref<200x128xf32, #tpu.memory_space<hbm>>
      %dma_start3A_231 = arith.constant 0 : i32
      %dma_start3A_232 = arith.constant 0 : i32
      %dma_start3A_233 = tpu.memref_slice %arg4[%add3A_205, %dma_start3A_231, %dma_start3A_232] : memref<4096x200x128xf32, #tpu.memory_space<hbm>> -> memref<1x200x128xf32, #tpu.memory_space<hbm>>
      %dma_start3A_234 = tpu.memref_squeeze %dma_start3A_233 : memref<1x200x128xf32, #tpu.memory_space<hbm>> -> memref<200x128xf32, #tpu.memory_space<hbm>>
      tpu.enqueue_dma source(%arg12 : memref<200x128xf32, #tpu.memory_space<vmem>>) target(%dma_start3A_234 : memref<200x128xf32, #tpu.memory_space<hbm>>) target_semaphore(%arg20 : memref<!tpu.dma_semaphore, #tpu.memory_space<semaphore_mem>>)
    }
    %scan3A_46 = arith.constant 32 : i32
    %add3A_47 = arith.constant 128 : i32
    %add3A_48 = arith.addi %mul3A_2, %add3A_47 : i32
    %sub3A = arith.constant 4 : i32
    %sub3A_49 = arith.subi %add3A_48, %sub3A : i32
    %add3A_50 = arith.constant 0 : i32
    %add3A_51 = arith.addi %sub3A_49, %add3A_50 : i32
    %dma_wait3A = arith.constant 0 : i32
    %dma_wait3A_52 = arith.constant 0 : i32
    %dma_wait3A_53 = tpu.memref_slice %arg4[%add3A_51, %dma_wait3A, %dma_wait3A_52] : memref<4096x200x128xf32, #tpu.memory_space<hbm>> -> memref<1x200x128xf32, #tpu.memory_space<hbm>>
    %dma_wait3A_54 = tpu.memref_squeeze %dma_wait3A_53 : memref<1x200x128xf32, #tpu.memory_space<hbm>> -> memref<200x128xf32, #tpu.memory_space<hbm>>
    %dma_wait3A_55 = arith.constant 0 : i32
    %dma_wait3A_56 = arith.constant 0 : i32
    %dma_wait3A_57 = tpu.memref_slice %arg4[%add3A_51, %dma_wait3A_55, %dma_wait3A_56] : memref<4096x200x128xf32, #tpu.memory_space<hbm>> -> memref<1x200x128xf32, #tpu.memory_space<hbm>>
    %dma_wait3A_58 = tpu.memref_squeeze %dma_wait3A_57 : memref<1x200x128xf32, #tpu.memory_space<hbm>> -> memref<200x128xf32, #tpu.memory_space<hbm>>
    tpu.wait_dma2 semaphore(%arg17 : memref<!tpu.dma_semaphore, #tpu.memory_space<semaphore_mem>>) src(%arg9 : memref<200x128xf32, #tpu.memory_space<vmem>>) dst(%dma_wait3A_58 : memref<200x128xf32, #tpu.memory_space<hbm>>)
    %add3A_59 = arith.constant 128 : i32
    %add3A_60 = arith.addi %mul3A_2, %add3A_59 : i32
    %sub3A_61 = arith.constant 4 : i32
    %sub3A_62 = arith.subi %add3A_60, %sub3A_61 : i32
    %add3A_63 = arith.constant 1 : i32
    %add3A_64 = arith.addi %sub3A_62, %add3A_63 : i32
    %dma_wait3A_65 = arith.constant 0 : i32
    %dma_wait3A_66 = arith.constant 0 : i32
    %dma_wait3A_67 = tpu.memref_slice %arg4[%add3A_64, %dma_wait3A_65, %dma_wait3A_66] : memref<4096x200x128xf32, #tpu.memory_space<hbm>> -> memref<1x200x128xf32, #tpu.memory_space<hbm>>
    %dma_wait3A_68 = tpu.memref_squeeze %dma_wait3A_67 : memref<1x200x128xf32, #tpu.memory_space<hbm>> -> memref<200x128xf32, #tpu.memory_space<hbm>>
    %dma_wait3A_69 = arith.constant 0 : i32
    %dma_wait3A_70 = arith.constant 0 : i32
    %dma_wait3A_71 = tpu.memref_slice %arg4[%add3A_64, %dma_wait3A_69, %dma_wait3A_70] : memref<4096x200x128xf32, #tpu.memory_space<hbm>> -> memref<1x200x128xf32, #tpu.memory_space<hbm>>
    %dma_wait3A_72 = tpu.memref_squeeze %dma_wait3A_71 : memref<1x200x128xf32, #tpu.memory_space<hbm>> -> memref<200x128xf32, #tpu.memory_space<hbm>>
    tpu.wait_dma2 semaphore(%arg18 : memref<!tpu.dma_semaphore, #tpu.memory_space<semaphore_mem>>) src(%arg10 : memref<200x128xf32, #tpu.memory_space<vmem>>) dst(%dma_wait3A_72 : memref<200x128xf32, #tpu.memory_space<hbm>>)
    %add3A_73 = arith.constant 128 : i32
    %add3A_74 = arith.addi %mul3A_2, %add3A_73 : i32
    %sub3A_75 = arith.constant 4 : i32
    %sub3A_76 = arith.subi %add3A_74, %sub3A_75 : i32
    %add3A_77 = arith.constant 2 : i32
    %add3A_78 = arith.addi %sub3A_76, %add3A_77 : i32
    %dma_wait3A_79 = arith.constant 0 : i32
    %dma_wait3A_80 = arith.constant 0 : i32
    %dma_wait3A_81 = tpu.memref_slice %arg4[%add3A_78, %dma_wait3A_79, %dma_wait3A_80] : memref<4096x200x128xf32, #tpu.memory_space<hbm>> -> memref<1x200x128xf32, #tpu.memory_space<hbm>>
    %dma_wait3A_82 = tpu.memref_squeeze %dma_wait3A_81 : memref<1x200x128xf32, #tpu.memory_space<hbm>> -> memref<200x128xf32, #tpu.memory_space<hbm>>
    %dma_wait3A_83 = arith.constant 0 : i32
    %dma_wait3A_84 = arith.constant 0 : i32
    %dma_wait3A_85 = tpu.memref_slice %arg4[%add3A_78, %dma_wait3A_83, %dma_wait3A_84] : memref<4096x200x128xf32, #tpu.memory_space<hbm>> -> memref<1x200x128xf32, #tpu.memory_space<hbm>>
    %dma_wait3A_86 = tpu.memref_squeeze %dma_wait3A_85 : memref<1x200x128xf32, #tpu.memory_space<hbm>> -> memref<200x128xf32, #tpu.memory_space<hbm>>
    tpu.wait_dma2 semaphore(%arg19 : memref<!tpu.dma_semaphore, #tpu.memory_space<semaphore_mem>>) src(%arg11 : memref<200x128xf32, #tpu.memory_space<vmem>>) dst(%dma_wait3A_86 : memref<200x128xf32, #tpu.memory_space<hbm>>)
    %add3A_87 = arith.constant 128 : i32
    %add3A_88 = arith.addi %mul3A_2, %add3A_87 : i32
    %sub3A_89 = arith.constant 4 : i32
    %sub3A_90 = arith.subi %add3A_88, %sub3A_89 : i32
    %add3A_91 = arith.constant 3 : i32
    %add3A_92 = arith.addi %sub3A_90, %add3A_91 : i32
    %dma_wait3A_93 = arith.constant 0 : i32
    %dma_wait3A_94 = arith.constant 0 : i32
    %dma_wait3A_95 = tpu.memref_slice %arg4[%add3A_92, %dma_wait3A_93, %dma_wait3A_94] : memref<4096x200x128xf32, #tpu.memory_space<hbm>> -> memref<1x200x128xf32, #tpu.memory_space<hbm>>
    %dma_wait3A_96 = tpu.memref_squeeze %dma_wait3A_95 : memref<1x200x128xf32, #tpu.memory_space<hbm>> -> memref<200x128xf32, #tpu.memory_space<hbm>>
    %dma_wait3A_97 = arith.constant 0 : i32
    %dma_wait3A_98 = arith.constant 0 : i32
    %dma_wait3A_99 = tpu.memref_slice %arg4[%add3A_92, %dma_wait3A_97, %dma_wait3A_98] : memref<4096x200x128xf32, #tpu.memory_space<hbm>> -> memref<1x200x128xf32, #tpu.memory_space<hbm>>
    %dma_wait3A_100 = tpu.memref_squeeze %dma_wait3A_99 : memref<1x200x128xf32, #tpu.memory_space<hbm>> -> memref<200x128xf32, #tpu.memory_space<hbm>>
    tpu.wait_dma2 semaphore(%arg20 : memref<!tpu.dma_semaphore, #tpu.memory_space<semaphore_mem>>) src(%arg12 : memref<200x128xf32, #tpu.memory_space<vmem>>) dst(%dma_wait3A_100 : memref<200x128xf32, #tpu.memory_space<hbm>>)
    return
  }
}

</mosaic_0001>

<sc_bundles>
// kernel: kernel.3.cloned.1.call-start
scs
__scs_entry_jumppad:
0x0: {  	(pc) =	sbr.rel $0x88, $3  }
0x1: {  	(tag) =	ssettag $0x0;
	lr =	simm.s32 $0x1  }
0x2: {  	[smem:$0x3F9F] =	sst lr;
	_ =	strace $0xD0000000  }
0x3: {  	_ = 	snop  }
0x4: {  	_ = 	snop  }
0x5: {  	_ = 	snop  }
0x6: {  	_ = 	snop  }
0x7: {  	_ = 	snop  }
__scs_overlays_trampoline_lowered:
0x8: {  	[smem:$0x3FAE] =	sst s0  }
0x9: {  	[smem:$0x3FAF] =	sst s1  }
0xa: {  	[smem:$0x3FB0] =	sst s2  }
0xb: {  	[smem:$0x3FB1] =	sst s3  }
0xc: {  	[smem:$0x3FB2] =	sst s4  }
0xd: {  	[smem:$0x3FB3] =	sst s5  }
0xe: {  	[smem:$0x3FB4] =	sst s6  }
0xf: {  	[smem:$0x3FB5] =	sst s7  }
0x10: {  	[smem:$0x3FB6] =	sst s8  }
0x11: {  	[smem:$0x3FB7] =	sst s9;
	s0 =	simm.s32 @!p0 $0x0  }
0x12: {  	s1 =	sld [smem:$0x3F9D];
	s0 =	simm.s32 @p0 $0x1  }
0x13: {  	[smem:$0x3FB8] =	sst s0;
	s0 =	simm.s32 @!p1 $0x0  }
0x14: {  	s2 =	sld [smem:$0x3F9C];
	s0 =	simm.s32 @p1 $0x1  }
0x15: {  	[smem:$0x3FB9] =	sst s0;
	s0 =	simm.s32 @!p2 $0x0  }
0x16: {  	s3 =	sld [smem:$0x3FDB];
	s0 =	simm.s32 @p2 $0x1  }
0x17: {  	s4 =	simm.s32 $0x1BF5;
	[smem:$0x3FBB] =	sst s0  }
0x18: {  	s0 =	sld [smem:$0x3F9E];
	_ =	swait.ge [sflag:s4], $0x0  }
0x19: {  	s7 =	sld [smem:$0x3F9F]  }
0x1a: {  	s8 =	sadd.s32 $0xFFFFE003, lr  }
0x1b: {  	s9 =	sadd.s32 $0xFFFFFEF7, lr;
	s5 =	simm.s32 $0xFFFFFFFF;
	p2 =	slt.u32 s8, $0xFFFFF086  }
0x1c: {  	p1 =	slt.u32 s9, $0xF7A;
	s5 =	simm.s32 @!p2 $0x0  }
0x1d: {  	s5 =	simm.s32 @p1 $0x1;
	p0 =	seq.s32 s7, s2  }
0x1e: {  	s7 =	smul.u32 @!p0 $0xF7A, s2;
	p2 =	seq.s32 @!p0 s5, $0x0  }
0x1f: {  	s9 =	smul.u32 $0xF7A, s1;
	s8 =	simm.s32 @!p0 $0x1BF5;
	p2 =	por !p2, p0  }
0x20: {  	[sflag:s8] =	ssyncset.s32 @!p0 $0xFFFFF086;
	s6 =	sadd.s32 @!p0 s3, s7;
	s7 =	simm.s32 @!p0 $0x108  }
0x21: {  	s3 =	sadd.s32 s3, s9;
	s6 =	sadd.s32 @!p0 $0x88, s6;
	s7 =	simm.s32 @p2 $0x1082  }
0x22: {  	[simem:s7], [sflag:s8] =	dma.local @!p0 [hbm:s6], $0xF7A  }
0x23: {  	s9 =	sor.u32 $0xD0000000, s2;
	s6 =	simm.s32 $0x108;
	_ =	swait.ge @!p0 [sflag:s8], $0x0  }
0x24: {  	s3 =	sadd.s32 $0x88, s3;
	s6 =	simm.s32 @!p1 $0x1082;
	[sflag:s4] =	ssyncset.s32 $0xFFFFF086  }
0x25: {  	[simem:s6], [sflag:s4] =	dma.local [hbm:s3], $0xF7A  }
0x26: {  	[smem:$0x3F9F] =	sst s1;
	(tag) =	ssettag s2;
	_ =	strace s9  }
0x27: {  	s1 =	sld [smem:$0x3FAF]  }
0x28: {  	s2 =	sld [smem:$0x3FB0]  }
0x29: {  	s4 =	sld [smem:$0x3FB2]  }
0x2a: {  	p0 =	seq.s32 s5, $0x0;
	s5 =	sld [smem:$0x3FB3]  }
0x2b: {  	s6 =	sld [smem:$0x3FB4]  }
0x2c: {  	s7 =	sld [smem:$0x3FB5]  }
0x2d: {  	s3 =	simm.s32 $0x108;
	s8 =	sld [smem:$0x3FB6]  }
0x2e: {  	s3 =	simm.s32 @!p0 $0x1082;
	s9 =	sld [smem:$0x3FB7]  }
0x2f: {  	lr =	sadd.s32 s0, s3;
	s0 =	sld [smem:$0x3FAE]  }
0x30: {  	s3 =	sld [smem:$0x3FB1]  }
0x31: {  	[smem:$0x3FBA] =	sst s10  }
0x32: {  	s10 =	sld [smem:$0x3FB8];
	_ =	sdelay $0x3  }
0x33: {  	p0 =	seq.s32 s10, $0x1;
	s10 =	sld [smem:$0x3FBA];
	_ =	sdelay $0x3  }
0x34: {  	[smem:$0x3FBA] =	sst s10  }
0x35: {  	s10 =	sld [smem:$0x3FB9];
	_ =	sdelay $0x3  }
0x36: {  	p1 =	seq.s32 s10, $0x1;
	s10 =	sld [smem:$0x3FBA];
	_ =	sdelay $0x3  }
0x37: {  	[smem:$0x3FBA] =	sst s10  }
0x38: {  	s10 =	sld [smem:$0x3FBB]  }
0x39: {  	_ = 	snop;
	(pc) =	sbr.ind lr, $3  }
0x3a: {  	_ = 	snop  }
0x3b: {  	_ = 	snop  }
0x3c: {  	p2 =	seq.s32 s10, $0x1;
	s10 =	sld [smem:$0x3FBA]  }
0x3d: {  	_ =	shalt  }
0x3e: {  	_ =	shalt  }
0x3f: {  	_ =	shalt  }
0x40: {  	_ =	shalt  }
0x41: {  	_ =	shalt  }
0x42: {  	_ =	shalt  }
0x43: {  	_ =	shalt  }
0x44: {  	_ =	shalt  }
0x45: {  	_ =	shalt  }
0x46: {  	_ =	shalt  }
0x47: {  	_ =	shalt  }
0x48: {  	_ =	shalt  }
0x49: {  	_ =	shalt  }
0x4a: {  	_ =	shalt  }
0x4b: {  	_ =	shalt  }
0x4c: {  	_ =	shalt  }
0x4d: {  	_ =	shalt  }
0x4e: {  	_ =	shalt  }
0x4f: {  	_ =	shalt  }
0x50: {  	_ =	shalt  }
0x51: {  	_ =	shalt  }
0x52: {  	_ =	shalt  }
0x53: {  	_ =	shalt  }
0x54: {  	_ =	shalt  }
0x55: {  	_ =	shalt  }
0x56: {  	_ =	shalt  }
0x57: {  	_ =	shalt  }
0x58: {  	_ =	shalt  }
0x59: {  	_ =	shalt  }
0x5a: {  	_ =	shalt  }
0x5b: {  	_ =	shalt  }
0x5c: {  	_ =	shalt  }
0x5d: {  	_ =	shalt  }
0x5e: {  	_ =	shalt  }
0x5f: {  	_ =	shalt  }
0x60: {  	_ =	shalt  }
0x61: {  	_ =	shalt  }
0x62: {  	_ =	shalt  }
0x63: {  	_ =	shalt  }
0x64: {  	_ =	shalt  }
0x65: {  	_ =	shalt  }
0x66: {  	_ =	shalt  }
0x67: {  	_ =	shalt  }
0x68: {  	_ =	shalt  }
0x69: {  	_ =	shalt  }
0x6a: {  	_ =	shalt  }
0x6b: {  	_ =	shalt  }
0x6c: {  	_ =	shalt  }
0x6d: {  	_ =	shalt  }
0x6e: {  	_ =	shalt  }
0x6f: {  	_ =	shalt  }
0x70: {  	_ =	shalt  }
0x71: {  	_ =	shalt  }
0x72: {  	_ =	shalt  }
0x73: {  	_ =	shalt  }
0x74: {  	_ =	shalt  }
0x75: {  	_ =	shalt  }
0x76: {  	_ =	shalt  }
0x77: {  	_ =	shalt  }
0x78: {  	_ =	shalt  }
0x79: {  	_ =	shalt  }
0x7a: {  	_ =	shalt  }
0x7b: {  	_ =	shalt  }
0x7c: {  	_ =	shalt  }
0x7d: {  	_ =	shalt  }
0x7e: {  	_ =	shalt  }
0x7f: {  	_ =	shalt  }
0x80: {  	_ =	shalt  }
0x81: {  	_ =	shalt  }
0x82: {  	_ =	shalt  }
0x83: {  	_ =	shalt  }
0x84: {  	_ =	shalt  }
0x85: {  	_ =	shalt  }
0x86: {  	_ =	shalt  }
0x87: {  	_ =	shalt  }
.Lfunc_end0:
.L_simem_size_0:
called_computation.1_lowered:
.L_overlay_start_0:
0x88: {  	s2 =	sld [smem:$0x3FD9]  }
0x89: {  	s3 =	sld [smem:$0x3FFE];
	_ =	sdelay $0x1  }
0x8a: {  	s1 =	srdreg.scid  }
0x8b: {  	s0 =	sand.u32 $0x1, s1  }
0x8c: {  	s17 =	sshll.u32 s0, $0xA;
	s2 =	sadd.s32 s3, s2  }
0x8d: {  	s2 =	sadd.s32 s2, s17  }
0x8e: {  	[smem:$0x3FC6] =	sst s2  }
0x8f: {  	_ = 	snop  }
0x90: {  	s2 =	sld [smem:$0x3FD0];
	(tm) =	ssettm $0x1  }
0x91: {  	s18 =	sld [smem:$0x3FFB];
	_ =	sdelay $0x3  }
0x92: {  	_ =	strace s18  }
0x93: {  	s3 =	sld [smem:$0x3FFC];
	_ =	sdelay $0x3  }
0x94: {  	_ =	strace s3  }
0x95: {  	s3 =	sld [smem:$0x3FFD];
	_ =	sdelay $0x3  }
0x96: {  	_ =	strace s3  }
0x97: {  	_ =	strace $0x8FFFFFFF  }
0x98: {  	s19 =	sld [smem:$0x3FDB];
	_ =	sdelay $0x1  }
0x99: {  	s4 =	simm.s32 $_scs_section_size  }
0x9a: {  	s5 =	simm.s32 $_size__tile_overlayer_lowered;
	s6 =	simm.s32 $_tile_overlayer_lowered  }
0x9b: {  	s22 =	simm.s32 $0x1BFF;
	s21 =	sshll.u32 s6, $0x1;
	s3 =	sadd.s32 s4, s19  }
0x9c: {  	s7 =	simm.s32 $0x0;
	s20 =	sshll.u32 s5, $0x1;
	s5 =	sadd.s32 s21, s3  }
0x9d: {  	[timem:s7], [sflag:s22] =	dma.local [hbm:s5], s20  }
0x9e: {  	_ =	swait.ge [sflag:s22], s20  }
0x9f: {  	s4 =	ssub.s32 $0x0, s20;
	[sflag:s22] =	ssyncset.done $0x0  }
0xa0: {  	[sflag:s22] =	ssyncadd.s32 s4;
	_ =	sdelay $0x1  }
0xa1: {  	s23 =	simm.s32 $0x1B8B  }
0xa2: {  	_ =	swait.ge [sflag:s23], $0x1  }
0xa3: {  	[sflag:s23] =	ssyncset.done $0x0  }
0xa4: {  	s25 =	simm.s32 $0x1B8E;
	s24 =	sld [smem:$0x3FFE];
	[sflag:s23] =	ssyncadd.s32 $0xFFFFFFFF  }
0xa5: {  	s26 =	simm.s32 $execute0_lowered;
	[smem:$0x3FD2] =	sst s25  }
0xa6: {  	s5 =	sshll.u32 s26, $0x1;
	_ =	strace $0x80000046;
	[dreg:$0x1] =	wrdreg $0xFFFFFFFF  }
0xa7: {  	s28 =	simm.s32 $_size_execute0_lowered;
	s3 =	sadd.s32 s3, s5;
	[dreg:$0x0] =	wrdreg $0x0  }
0xa8: {  	s5 =	sshll.u32 s28, $0x1;
	[dreg:$0x2] =	wrdreg s3  }
0xa9: {  	[dreg:$0x3] =	wrdreg s5  }
0xaa: {  	[dreg:$0x4] =	wrdreg $0xC0  }
0xab: {  	_ =	task [dreg:s7], $0x5FFFF  }
0xac: {  	[dreg:$0x1] =	wrdreg $0xFFFFFFFF  }
0xad: {  	[dreg:$0x0] =	wrdreg $0x60  }
0xae: {  	[dreg:$0x2] =	wrdreg s2  }
0xaf: {  	[dreg:$0x3] =	wrdreg s24  }
0xb0: {  	[dreg:$0x4] =	wrdreg $0x9  }
0xb1: {  	_ =	task.clear_ibuf [dreg:s7], $0x5FFFF;
	_ =	strace $0x90000046  }
0xb2: {  	s29 =	simm.s32 $0x9;
	_ =	strace $0x80000048  }
0xb3: {  	_ =	swait.ge [sflag:s29], $0x1  }
0xb4: {  	[sflag:s29] =	ssyncadd.s32 $0xFFFFFFFF  }
0xb5: {  	_ =	strace $0x90000048  }
0xb6: {  	_ =	sfence  }
0xb7: {  	s30 =	sld [smem:$0x0];
	_ =	sdelay $0x2  }
0xb8: {  	s31 =	sshll.u32 s1, $0xD;
	s1 =	sshrl.u32 s1, $0x2  }
0xb9: {  	s3 =	sand.u32 $0x4000, s31;
	s1 =	sadd.s32 s1, s30  }
0xba: {  	s0 =	sor.u32 s3, s0;
	s1 =	sshll.u32 s1, $0x11  }
0xbb: {  	s0 =	sor.u32 s1, s0  }
0xbc: {  	s0 =	sadd.s32 $0x8F2B, s0  }
0xbd: {  	[sflag:s0] =	ssyncadd.remote.s32 $0x1  }
0xbe: {  	_ =	sfence.sel $0xFFFF  }
0xbf: {  	[dreg:$0x0] =	wrdreg $0xFFFFFFFF;
	(pc) =	sbr.abs _section_cstart, $3  }
0xc0: {  	[dreg:$0x1] =	wrdreg $0xFFFFFFFF  }
0xc1: {  	_ =	task.clear_ibuf [dreg:s7], $0x2FFFF;
	_ =	strace $0x9FFFFFFF  }
0xc2: {  	(tm) =	ssettm $0x7FFFFFFF  }
0xc3: {  	_ =	shalt  }
tec
execute0_lowered:
.L_overlay_start_1:
0x0: {  	(tag) =	ssettag $0x1  }
0x1: {  	s2 =	rddreg [dreg:$0x0];
	s0 =	srdreg.scid  }
0x2: {  	s3 =	stileid.u32;
	s1 =	rddreg [dreg:$0x1]  }
0x3: {  	s10 =	simm.s32 $0x9;
	s11 =	simm.s32 $0x80;
	s12 =	simm.s32 $0x320  }
0x4: {  	s13 =	simm.s32 $0x48;
	s16 =	simm.s32 $0x6720;
	s19 =	simm.s32 $0x190  }
0x5: {  	s20 =	simm.s32 $0xCB20;
	s21 =	simm.s32 $0x210;
	s22 =	simm.s32 $0x10B20  }
0x6: {  	s23 =	simm.s32 $0x1;
	s24 =	simm.s32 $0x258;
	s28 =	simm.s32 $0x16F20  }
0x7: {  	s29 =	simm.s32 $0x2;
	s30 =	simm.s32 $0x3;
	s31 =	simm.s32 $0x4  }
0x8: {  	s14 =	simm.s32 $0x7;
	s0 =	sand.u32 $0x1, s0;
	s4 =	sshll.u32 s3, $0x1  }
0x9: {  	s17 =	simm.s32 $0x8;
	s18 =	simm.s32 $0x0;
	s6 =	sor.u32 s0, s4  }
0xa: {  	s3 =	simm.s32 $0x0;
	s0 =	ssub.s32 $0x2, s0;
	s7 =	smul.u32 $0xC80, s6  }
0xb: {  	s5 =	sadd.s32 $0xA00, s1;
	[smem:$0x7FF] =	sst s3;
	s25 =	sshrl.u32 s0, $0x1  }
0xc: {  	s4 =	sadd.s32 $0xF42E00, s1;
	s0 =	ssub.s32 s0, s25;
	s8 =	sadd.s32 s2, s7  }
0xd: {  	_ =	strace $0x80000047;
	s0 =	smax.u32 s0, $0x1;
	[dreg:$0x3] =	wrdreg s8  }
0xe: {  	s25 =	simm.s32 $0x12F20;
	s26 =	sadd.s32 $0x19, s8;
	[dreg:$0x5] =	wrdreg s0  }
0xf: {  	s7 =	sshll.u32 s6, $0x7;
	[dreg:$0x4] =	wrdreg s26;
	s26 =	simm.s32 $0x2D8  }
.LBB2_1:
0x10: {  	s0 =	rddreg [dreg:$0x3]  }
0x11: {  	[tilespmem:s3], [sflag:$0x9] =	stream.linear.gather [hbm4b:s0+s3], $0xC8, $0x38;
	[tilespmem:$0x19320] =	vst v63  }
0x12: {  	_ =	swait.ge [sflag:s10], $0xC8  }
0x13: {  	[sflag:s10] =	ssyncset.done $0x0  }
0x14: {  	[sflag:s10] =	ssyncadd.s32 $0xFFFFFF38  }
0x15: {  	[tilespmem:s12], [sflag:$0x1] =	stream.indirect.gather [hbm4b:s4+s11], $0x80, s3, s11, $0xb8;
	[tilespmem:$0x19320] =	vst v63  }
0x16: {  	s6 =	simm.s32 $0x4320  }
0x17: {  	[tilespmem:s6], [sflag:$0x1] =	stream.indirect.gather [hbm4b:s4+s13], $0x80, s11, s13, $0xb8;
	[tilespmem:$0x19320] =	vst v63  }
0x18: {  	s1 =	simm.s32 $0xC8;
	s8 =	rddreg [dreg:$0x4]  }
0x19: {  	[tilespmem:s1], [sflag:$0x9] =	stream.linear.gather [hbm4b:s8+s3], $0xC8, $0x38;
	[tilespmem:$0x19320] =	vst v63  }
0x1a: {  	_ =	swait.ge [sflag:s10], $0xC8  }
0x1b: {  	[sflag:s10] =	ssyncset.done $0x0  }
0x1c: {  	[sflag:s10] =	ssyncadd.s32 $0xFFFFFF38  }
0x1d: {  	[tilespmem:s16], [sflag:$0x2] =	stream.indirect.gather [hbm4b:s4+s11], $0x80, s1, s11, $0xb8;
	[tilespmem:$0x19320] =	vst v63  }
0x1e: {  	s9 =	simm.s32 $0x148;
	s15 =	simm.s32 $0xA720  }
0x1f: {  	[tilespmem:s15], [sflag:$0x2] =	stream.indirect.gather [hbm4b:s4+s13], $0x80, s9, s13, $0xb8;
	[tilespmem:$0x19320] =	vst v63  }
0x20: {  	s15 =	simm.s32 $0x0  }
.LBB2_2:
0x21: {  	s1 =	sshll.u32 s15, $0x2  }
0x22: {  	s8 =	sor.u32 s7, s1  }
0x23: {  	p0 =	seq.s32 s15, $0x0;
	s1 =	smul.u32 $0xC8, s8  }
0x24: {  	s6 =	simm.s32 @!p0 $0x7  }
0x25: {  	_ =	swait.ge @!p0 [sflag:s6], $0x6400;
	s1 =	sshrl.u32 s1, $0x3  }
0x26: {  	[sflag:s6] =	ssyncset.done @!p0 $0x0;
	s1 =	sadd.s32 s2, s1  }
0x27: {  	s0 =	simm.s32 $0x0;
	[sflag:s6] =	ssyncadd.s32 @!p0 $0xFFFF9C00;
	s1 =	sadd.s32 $0x32, s1  }
0x28: {  	[tilespmem:s19], [sflag:$0x9] =	stream.linear.gather [hbm4b:s1+s0], $0xC8, $0x38;
	[tilespmem:$0x19320] =	vst v63  }
0x29: {  	_ =	swait.ge [sflag:s10], $0xC8  }
0x2a: {  	[sflag:s10] =	ssyncset.done $0x0  }
0x2b: {  	[sflag:s10] =	ssyncadd.s32 $0xFFFFFF38  }
0x2c: {  	[tilespmem:s20], [sflag:$0x3] =	stream.indirect.gather [hbm4b:s4+s11], $0x80, s19, s11, $0xb8;
	[tilespmem:$0x19320] =	vst v63  }
0x2d: {  	_ = 	snop  }
0x2e: {  	[tilespmem:s22], [sflag:$0x3] =	stream.indirect.gather [hbm4b:s4+s13], $0x80, s21, s13, $0xb8;
	[tilespmem:$0x19320] =	vst v63  }
0x2f: {  	_ =	swait.ge [sflag:s23], $0x6400  }
0x30: {  	[sflag:s23] =	ssyncset.done $0x0  }
0x31: {  	s9 =	simm.s32 $0x0;
	[sflag:s23] =	ssyncadd.s32 $0xFFFF9C00  }
0x32: {  	v0 =	vld [tilespmem:s9+$0x320]  }
0x33: {  	v1 =	vld [tilespmem:s9+$0x330]  }
0x34: {  	v2 =	vld [tilespmem:s9+$0x340]  }
0x35: {  	v3 =	vld [tilespmem:s9+$0x350]  }
0x36: {  	v4 =	vld [tilespmem:s9+$0x3A0]  }
0x37: {  	v5 =	vld [tilespmem:s9+$0x3B0];
	v0 =	vmul.f32 $8.000000000e+00, v0  }
0x38: {  	v6 =	vld [tilespmem:s9+$0x3C0];
	v1 =	vmul.f32 $8.000000000e+00, v1  }
0x39: {  	v7 =	vld [tilespmem:s9+$0x3D0];
	[tilespmem:s9+$0x320] =	vst v0;
	v0 =	vmul.f32 $8.000000000e+00, v2  }
0x3a: {  	v8 =	vld [tilespmem:s9+$0x420];
	[tilespmem:s9+$0x330] =	vst v1;
	v1 =	vmul.f32 $8.000000000e+00, v3  }
0x3b: {  	v9 =	vld [tilespmem:s9+$0x430];
	[tilespmem:s9+$0x340] =	vst v0;
	v0 =	vmul.f32 $8.000000000e+00, v4  }
0x3c: {  	v2 =	vmul.f32 $8.000000000e+00, v5;
	[tilespmem:s9+$0x350] =	vst v1;
	v1 =	vld [tilespmem:s9+$0x440]  }
0x3d: {  	v3 =	vmul.f32 $8.000000000e+00, v6;
	[tilespmem:s9+$0x3A0] =	vst v0;
	v0 =	vld [tilespmem:s9+$0x450]  }
0x3e: {  	s6 =	smul.u32 $0xC80, s8;
	[tilespmem:s9+$0x3B0] =	vst v2;
	v2 =	vld [tilespmem:s9+$0x4A0];
	v4 =	vmul.f32 $8.000000000e+00, v7  }
0x3f: {  	v6 =	vmul.f32 $8.000000000e+00, v8;
	[tilespmem:s9+$0x3C0] =	vst v3;
	v3 =	vld [tilespmem:s9+$0x4B0]  }
0x40: {  	s6 =	sadd.s32 s5, s6;
	s1 =	simm.s32 $0x800;
	v5 =	vmul.f32 $8.000000000e+00, v9;
	[tilespmem:s9+$0x3D0] =	vst v4;
	v4 =	vld [tilespmem:s9+$0x4C0]  }
.LBB2_3:
0x41: {  	s0 =	sshra.s32 s1, $0x2;
	p1 =	sne.s32 s1, $0x18800;
	[tilespmem:s9+$0x420] =	vst v6;
	v1 =	vmul.f32 $8.000000000e+00, v1;
	v6 =	vld [tilespmem:s9+$0x4D0]  }
0x42: {  	v7 =	vld [tilespmem:s0+$0x320];
	[tilespmem:s9+$0x430] =	vst v5;
	v0 =	vmul.f32 $8.000000000e+00, v0  }
0x43: {  	v5 =	vld [tilespmem:s0+$0x330];
	[tilespmem:s9+$0x440] =	vst v1;
	v1 =	vmul.f32 $8.000000000e+00, v2  }
0x44: {  	v2 =	vld [tilespmem:s0+$0x340];
	[tilespmem:s9+$0x450] =	vst v0;
	v0 =	vmul.f32 $8.000000000e+00, v3  }
0x45: {  	v3 =	vld [tilespmem:s0+$0x350];
	[tilespmem:s9+$0x4A0] =	vst v1;
	v1 =	vmul.f32 $8.000000000e+00, v4  }
0x46: {  	v4 =	vld [tilespmem:s0+$0x3A0];
	[tilespmem:s9+$0x4B0] =	vst v0;
	v0 =	vmul.f32 $8.000000000e+00, v6  }
0x47: {  	v6 =	vmul.f32 $8.000000000e+00, v7;
	v7 =	vld [tilespmem:s0+$0x3B0];
	[tilespmem:s9+$0x4C0] =	vst v1  }
0x48: {  	v1 =	vmul.f32 $8.000000000e+00, v5;
	v5 =	vld [tilespmem:s0+$0x3C0];
	[tilespmem:s9+$0x4D0] =	vst v0;
	s9 =	smov.u32 s0  }
0x49: {  	[tilespmem:s9+$0x320] =	vst v6;
	v0 =	vmul.f32 $8.000000000e+00, v2;
	v2 =	vld [tilespmem:s9+$0x3D0]  }
0x4a: {  	[tilespmem:s9+$0x330] =	vst v1;
	v1 =	vmul.f32 $8.000000000e+00, v3;
	v3 =	vld [tilespmem:s9+$0x420]  }
0x4b: {  	[tilespmem:s9+$0x340] =	vst v0;
	v0 =	vmul.f32 $8.000000000e+00, v4;
	v4 =	vld [tilespmem:s9+$0x430]  }
.Ltmp0:
0x4c: {  	[tilespmem:s9+$0x350] =	vst v1;
	v6 =	vmul.f32 $8.000000000e+00, v7;
	v1 =	vld [tilespmem:s9+$0x440];
	(pc) =	sbr.rel @p1 .LBB2_3-.Ltmp0, $4  }
0x4d: {  	[tilespmem:s9+$0x3A0] =	vst v0;
	v5 =	vmul.f32 $8.000000000e+00, v5;
	v0 =	vld [tilespmem:s9+$0x450]  }
0x4e: {  	[tilespmem:s9+$0x3B0] =	vst v6;
	v7 =	vmul.f32 $8.000000000e+00, v2;
	v2 =	vld [tilespmem:s9+$0x4A0]  }
0x4f: {  	[tilespmem:s9+$0x3C0] =	vst v5;
	v6 =	vmul.f32 $8.000000000e+00, v3;
	v3 =	vld [tilespmem:s9+$0x4B0]  }
0x50: {  	s1 =	sadd.s32 $0x800, s1;
	[tilespmem:s9+$0x3D0] =	vst v7;
	v5 =	vmul.f32 $8.000000000e+00, v4;
	v4 =	vld [tilespmem:s9+$0x4C0]  }
0x51: {  	[tilespmem:s9+$0x420] =	vst v6;
	v1 =	vmul.f32 $8.000000000e+00, v1;
	v6 =	vld [tilespmem:s9+$0x4D0]  }
0x52: {  	[tilespmem:s9+$0x430] =	vst v5;
	v0 =	vmul.f32 $8.000000000e+00, v0  }
0x53: {  	[tilespmem:s9+$0x440] =	vst v1;
	v1 =	vmul.f32 $8.000000000e+00, v2  }
0x54: {  	[tilespmem:s9+$0x450] =	vst v0;
	v0 =	vmul.f32 $8.000000000e+00, v3  }
0x55: {  	[tilespmem:s9+$0x4A0] =	vst v1;
	v1 =	vmul.f32 $8.000000000e+00, v4  }
0x56: {  	[tilespmem:s9+$0x4B0] =	vst v0;
	v0 =	vmul.f32 $8.000000000e+00, v6  }
0x57: {  	s0 =	sor.u32 $0x1, s8;
	[tilespmem:s9+$0x4C0] =	vst v1  }
0x58: {  	s1 =	smul.u32 $0xC8, s0;
	[tilespmem:s9+$0x4D0] =	vst v0  }
0x59: {  	[hbm4b:s6+s3] =	stream.linear.scatter [tilespmem:s12], [sflag:$0x5], $0x6400, $0x38;
	[tilespmem:$0x19320] =	vst v63  }
0x5a: {  	s6 =	simm.s32 @!p0 $0x8  }
0x5b: {  	s1 =	sshrl.u32 s1, $0x3;
	_ =	swait.ge @!p0 [sflag:s6], $0x6400  }
0x5c: {  	s1 =	sadd.s32 s2, s1;
	[sflag:s6] =	ssyncset.done @!p0 $0x0  }
0x5d: {  	s1 =	sadd.s32 $0x32, s1;
	s9 =	simm.s32 $0x0;
	[sflag:s6] =	ssyncadd.s32 @!p0 $0xFFFF9C00  }
0x5e: {  	[tilespmem:s24], [sflag:$0x9] =	stream.linear.gather [hbm4b:s1+s9], $0xC8, $0x38;
	[tilespmem:$0x19320] =	vst v63  }
0x5f: {  	_ =	swait.ge [sflag:s10], $0xC8  }
0x60: {  	[sflag:s10] =	ssyncset.done $0x0  }
0x61: {  	[sflag:s10] =	ssyncadd.s32 $0xFFFFFF38  }
0x62: {  	[tilespmem:s25], [sflag:$0x4] =	stream.indirect.gather [hbm4b:s4+s11], $0x80, s24, s11, $0xb8;
	[tilespmem:$0x19320] =	vst v63  }
0x63: {  	_ = 	snop  }
0x64: {  	[tilespmem:s28], [sflag:$0x4] =	stream.indirect.gather [hbm4b:s4+s13], $0x80, s26, s13, $0xb8;
	[tilespmem:$0x19320] =	vst v63  }
0x65: {  	_ =	swait.ge [sflag:s29], $0x6400  }
0x66: {  	[sflag:s29] =	ssyncset.done $0x0  }
0x67: {  	s9 =	simm.s32 $0x0;
	[sflag:s29] =	ssyncadd.s32 $0xFFFF9C00  }
0x68: {  	v0 =	vld [tilespmem:s9+$0x6720]  }
0x69: {  	v1 =	vld [tilespmem:s9+$0x6730]  }
0x6a: {  	v2 =	vld [tilespmem:s9+$0x6740]  }
0x6b: {  	v3 =	vld [tilespmem:s9+$0x6750]  }
0x6c: {  	v4 =	vld [tilespmem:s9+$0x67A0]  }
0x6d: {  	v5 =	vld [tilespmem:s9+$0x67B0];
	v0 =	vmul.f32 $8.000000000e+00, v0  }
0x6e: {  	v6 =	vld [tilespmem:s9+$0x67C0];
	v1 =	vmul.f32 $8.000000000e+00, v1  }
0x6f: {  	v7 =	vld [tilespmem:s9+$0x67D0];
	[tilespmem:s9+$0x6720] =	vst v0;
	v0 =	vmul.f32 $8.000000000e+00, v2  }
0x70: {  	v8 =	vld [tilespmem:s9+$0x6820];
	[tilespmem:s9+$0x6730] =	vst v1;
	v1 =	vmul.f32 $8.000000000e+00, v3  }
0x71: {  	v9 =	vld [tilespmem:s9+$0x6830];
	[tilespmem:s9+$0x6740] =	vst v0;
	v0 =	vmul.f32 $8.000000000e+00, v4  }
0x72: {  	v2 =	vmul.f32 $8.000000000e+00, v5;
	[tilespmem:s9+$0x6750] =	vst v1;
	v1 =	vld [tilespmem:s9+$0x6840]  }
0x73: {  	v3 =	vmul.f32 $8.000000000e+00, v6;
	[tilespmem:s9+$0x67A0] =	vst v0;
	v0 =	vld [tilespmem:s9+$0x6850]  }
0x74: {  	s0 =	smul.u32 $0xC80, s0;
	[tilespmem:s9+$0x67B0] =	vst v2;
	v2 =	vld [tilespmem:s9+$0x68A0];
	v4 =	vmul.f32 $8.000000000e+00, v7  }
0x75: {  	v6 =	vmul.f32 $8.000000000e+00, v8;
	[tilespmem:s9+$0x67C0] =	vst v3;
	v3 =	vld [tilespmem:s9+$0x68B0]  }
0x76: {  	s6 =	sadd.s32 s5, s0;
	s1 =	simm.s32 $0x800;
	v5 =	vmul.f32 $8.000000000e+00, v9;
	[tilespmem:s9+$0x67D0] =	vst v4;
	v4 =	vld [tilespmem:s9+$0x68C0]  }
.LBB2_5:
0x77: {  	s0 =	sshra.s32 s1, $0x2;
	p0 =	sne.s32 s1, $0x18800;
	[tilespmem:s9+$0x6820] =	vst v6;
	v1 =	vmul.f32 $8.000000000e+00, v1;
	v6 =	vld [tilespmem:s9+$0x68D0]  }
0x78: {  	v7 =	vld [tilespmem:s0+$0x6720];
	[tilespmem:s9+$0x6830] =	vst v5;
	v0 =	vmul.f32 $8.000000000e+00, v0  }
0x79: {  	v5 =	vld [tilespmem:s0+$0x6730];
	[tilespmem:s9+$0x6840] =	vst v1;
	v1 =	vmul.f32 $8.000000000e+00, v2  }
0x7a: {  	v2 =	vld [tilespmem:s0+$0x6740];
	[tilespmem:s9+$0x6850] =	vst v0;
	v0 =	vmul.f32 $8.000000000e+00, v3  }
0x7b: {  	v3 =	vld [tilespmem:s0+$0x6750];
	[tilespmem:s9+$0x68A0] =	vst v1;
	v1 =	vmul.f32 $8.000000000e+00, v4  }
0x7c: {  	v4 =	vld [tilespmem:s0+$0x67A0];
	[tilespmem:s9+$0x68B0] =	vst v0;
	v0 =	vmul.f32 $8.000000000e+00, v6  }
0x7d: {  	v6 =	vmul.f32 $8.000000000e+00, v7;
	v7 =	vld [tilespmem:s0+$0x67B0];
	[tilespmem:s9+$0x68C0] =	vst v1  }
0x7e: {  	v1 =	vmul.f32 $8.000000000e+00, v5;
	v5 =	vld [tilespmem:s0+$0x67C0];
	[tilespmem:s9+$0x68D0] =	vst v0;
	s9 =	smov.u32 s0  }
0x7f: {  	[tilespmem:s9+$0x6720] =	vst v6;
	v0 =	vmul.f32 $8.000000000e+00, v2;
	v2 =	vld [tilespmem:s9+$0x67D0]  }
0x80: {  	[tilespmem:s9+$0x6730] =	vst v1;
	v1 =	vmul.f32 $8.000000000e+00, v3;
	v3 =	vld [tilespmem:s9+$0x6820]  }
0x81: {  	[tilespmem:s9+$0x6740] =	vst v0;
	v0 =	vmul.f32 $8.000000000e+00, v4;
	v4 =	vld [tilespmem:s9+$0x6830]  }
.Ltmp1:
0x82: {  	[tilespmem:s9+$0x6750] =	vst v1;
	v6 =	vmul.f32 $8.000000000e+00, v7;
	v1 =	vld [tilespmem:s9+$0x6840];
	(pc) =	sbr.rel @p0 .LBB2_5-.Ltmp1, $4  }
0x83: {  	[tilespmem:s9+$0x67A0] =	vst v0;
	v5 =	vmul.f32 $8.000000000e+00, v5;
	v0 =	vld [tilespmem:s9+$0x6850]  }
0x84: {  	[tilespmem:s9+$0x67B0] =	vst v6;
	v7 =	vmul.f32 $8.000000000e+00, v2;
	v2 =	vld [tilespmem:s9+$0x68A0]  }
0x85: {  	[tilespmem:s9+$0x67C0] =	vst v5;
	v6 =	vmul.f32 $8.000000000e+00, v3;
	v3 =	vld [tilespmem:s9+$0x68B0]  }
0x86: {  	s1 =	sadd.s32 $0x800, s1;
	[tilespmem:s9+$0x67D0] =	vst v7;
	v5 =	vmul.f32 $8.000000000e+00, v4;
	v4 =	vld [tilespmem:s9+$0x68C0]  }
0x87: {  	[tilespmem:s9+$0x6820] =	vst v6;
	v1 =	vmul.f32 $8.000000000e+00, v1;
	v6 =	vld [tilespmem:s9+$0x68D0]  }
0x88: {  	[tilespmem:s9+$0x6830] =	vst v5;
	v0 =	vmul.f32 $8.000000000e+00, v0  }
0x89: {  	[tilespmem:s9+$0x6840] =	vst v1;
	v1 =	vmul.f32 $8.000000000e+00, v2  }
0x8a: {  	[tilespmem:s9+$0x6850] =	vst v0;
	v0 =	vmul.f32 $8.000000000e+00, v3  }
0x8b: {  	[tilespmem:s9+$0x68A0] =	vst v1;
	v1 =	vmul.f32 $8.000000000e+00, v4  }
0x8c: {  	[tilespmem:s9+$0x68B0] =	vst v0;
	v0 =	vmul.f32 $8.000000000e+00, v6  }
0x8d: {  	s0 =	sor.u32 $0x2, s8;
	p0 =	seq.s32 s15, $0x1F;
	[tilespmem:s9+$0x68C0] =	vst v1  }
0x8e: {  	s1 =	smul.u32 @!p0 $0xC8, s0;
	[tilespmem:s9+$0x68D0] =	vst v0  }
0x8f: {  	[hbm4b:s6+s3] =	stream.linear.scatter [tilespmem:s16], [sflag:$0x6], $0x6400, $0x38;
	[tilespmem:$0x19320] =	vst v63  }
0x90: {  	s6 =	simm.s32 @!p0 $0x5  }
0x91: {  	s1 =	sshrl.u32 @!p0 s1, $0x3;
	_ =	swait.ge @!p0 [sflag:s6], $0x6400  }
0x92: {  	s1 =	sadd.s32 @!p0 s2, s1;
	[sflag:s6] =	ssyncset.done @!p0 $0x0  }
0x93: {  	s1 =	sadd.s32 @!p0 $0x32, s1;
	[sflag:s6] =	ssyncadd.s32 @!p0 $0xFFFF9C00;
	s6 =	simm.s32 @!p0 $0x0  }
0x94: {  	[tilespmem:s6], [sflag:$0x9] =	stream.linear.gather @!p0 [hbm4b:s1+s6], $0xC8, $0x38;
	[tilespmem:$0x19320] =	vst v63  }
0x95: {  	s1 =	simm.s32 @!p0 $0x9  }
0x96: {  	_ =	swait.ge @!p0 [sflag:s1], $0xC8  }
0x97: {  	[sflag:s1] =	ssyncset.done @!p0 $0x0  }
0x98: {  	s9 =	simm.s32 @!p0 $0x320;
	[sflag:s1] =	ssyncadd.s32 @!p0 $0xFFFFFF38;
	s1 =	simm.s32 @!p0 $0x80  }
0x99: {  	[tilespmem:s9], [sflag:$0x1] =	stream.indirect.gather @!p0 [hbm4b:s4+s1], $0x80, s6, s1, $0xb8;
	[tilespmem:$0x19320] =	vst v63  }
0x9a: {  	s6 =	simm.s32 @!p0 $0x48;
	s9 =	simm.s32 @!p0 $0x4320  }
0x9b: {  	[tilespmem:s9], [sflag:$0x1] =	stream.indirect.gather @!p0 [hbm4b:s4+s6], $0x80, s1, s6, $0xb8;
	[tilespmem:$0x19320] =	vst v63  }
0x9c: {  	_ =	swait.ge [sflag:s30], $0x6400  }
0x9d: {  	[sflag:s30] =	ssyncset.done $0x0  }
0x9e: {  	s9 =	simm.s32 $0x0;
	[sflag:s30] =	ssyncadd.s32 $0xFFFF9C00  }
0x9f: {  	v0 =	vld [tilespmem:s9+$0xCB20]  }
0xa0: {  	v1 =	vld [tilespmem:s9+$0xCB30]  }
0xa1: {  	v2 =	vld [tilespmem:s9+$0xCB40]  }
0xa2: {  	v3 =	vld [tilespmem:s9+$0xCB50]  }
0xa3: {  	v4 =	vld [tilespmem:s9+$0xCBA0]  }
0xa4: {  	v5 =	vld [tilespmem:s9+$0xCBB0];
	v0 =	vmul.f32 $8.000000000e+00, v0  }
0xa5: {  	v6 =	vld [tilespmem:s9+$0xCBC0];
	v1 =	vmul.f32 $8.000000000e+00, v1  }
0xa6: {  	v7 =	vld [tilespmem:s9+$0xCBD0];
	[tilespmem:s9+$0xCB20] =	vst v0;
	v0 =	vmul.f32 $8.000000000e+00, v2  }
0xa7: {  	v8 =	vld [tilespmem:s9+$0xCC20];
	[tilespmem:s9+$0xCB30] =	vst v1;
	v1 =	vmul.f32 $8.000000000e+00, v3  }
0xa8: {  	v9 =	vld [tilespmem:s9+$0xCC30];
	[tilespmem:s9+$0xCB40] =	vst v0;
	v0 =	vmul.f32 $8.000000000e+00, v4  }
0xa9: {  	v2 =	vmul.f32 $8.000000000e+00, v5;
	[tilespmem:s9+$0xCB50] =	vst v1;
	v1 =	vld [tilespmem:s9+$0xCC40]  }
0xaa: {  	v3 =	vmul.f32 $8.000000000e+00, v6;
	[tilespmem:s9+$0xCBA0] =	vst v0;
	v0 =	vld [tilespmem:s9+$0xCC50]  }
0xab: {  	s0 =	smul.u32 $0xC80, s0;
	[tilespmem:s9+$0xCBB0] =	vst v2;
	v2 =	vld [tilespmem:s9+$0xCCA0];
	v4 =	vmul.f32 $8.000000000e+00, v7  }
0xac: {  	v6 =	vmul.f32 $8.000000000e+00, v8;
	[tilespmem:s9+$0xCBC0] =	vst v3;
	v3 =	vld [tilespmem:s9+$0xCCB0]  }
0xad: {  	s6 =	sadd.s32 s5, s0;
	s1 =	simm.s32 $0x800;
	v5 =	vmul.f32 $8.000000000e+00, v9;
	[tilespmem:s9+$0xCBD0] =	vst v4;
	v4 =	vld [tilespmem:s9+$0xCCC0]  }
.LBB2_7:
0xae: {  	s0 =	sshra.s32 s1, $0x2;
	p1 =	sne.s32 s1, $0x18800;
	[tilespmem:s9+$0xCC20] =	vst v6;
	v1 =	vmul.f32 $8.000000000e+00, v1;
	v6 =	vld [tilespmem:s9+$0xCCD0]  }
0xaf: {  	v7 =	vld [tilespmem:s0+$0xCB20];
	[tilespmem:s9+$0xCC30] =	vst v5;
	v0 =	vmul.f32 $8.000000000e+00, v0  }
0xb0: {  	v5 =	vld [tilespmem:s0+$0xCB30];
	[tilespmem:s9+$0xCC40] =	vst v1;
	v1 =	vmul.f32 $8.000000000e+00, v2  }
0xb1: {  	v2 =	vld [tilespmem:s0+$0xCB40];
	[tilespmem:s9+$0xCC50] =	vst v0;
	v0 =	vmul.f32 $8.000000000e+00, v3  }
0xb2: {  	v3 =	vld [tilespmem:s0+$0xCB50];
	[tilespmem:s9+$0xCCA0] =	vst v1;
	v1 =	vmul.f32 $8.000000000e+00, v4  }
0xb3: {  	v4 =	vld [tilespmem:s0+$0xCBA0];
	[tilespmem:s9+$0xCCB0] =	vst v0;
	v0 =	vmul.f32 $8.000000000e+00, v6  }
0xb4: {  	v6 =	vmul.f32 $8.000000000e+00, v7;
	v7 =	vld [tilespmem:s0+$0xCBB0];
	[tilespmem:s9+$0xCCC0] =	vst v1  }
0xb5: {  	v1 =	vmul.f32 $8.000000000e+00, v5;
	v5 =	vld [tilespmem:s0+$0xCBC0];
	[tilespmem:s9+$0xCCD0] =	vst v0;
	s9 =	smov.u32 s0  }
0xb6: {  	[tilespmem:s9+$0xCB20] =	vst v6;
	v0 =	vmul.f32 $8.000000000e+00, v2;
	v2 =	vld [tilespmem:s9+$0xCBD0]  }
0xb7: {  	[tilespmem:s9+$0xCB30] =	vst v1;
	v1 =	vmul.f32 $8.000000000e+00, v3;
	v3 =	vld [tilespmem:s9+$0xCC20]  }
0xb8: {  	[tilespmem:s9+$0xCB40] =	vst v0;
	v0 =	vmul.f32 $8.000000000e+00, v4;
	v4 =	vld [tilespmem:s9+$0xCC30]  }
.Ltmp2:
0xb9: {  	[tilespmem:s9+$0xCB50] =	vst v1;
	v6 =	vmul.f32 $8.000000000e+00, v7;
	v1 =	vld [tilespmem:s9+$0xCC40];
	(pc) =	sbr.rel @p1 .LBB2_7-.Ltmp2, $4  }
0xba: {  	[tilespmem:s9+$0xCBA0] =	vst v0;
	v5 =	vmul.f32 $8.000000000e+00, v5;
	v0 =	vld [tilespmem:s9+$0xCC50]  }
0xbb: {  	[tilespmem:s9+$0xCBB0] =	vst v6;
	v7 =	vmul.f32 $8.000000000e+00, v2;
	v2 =	vld [tilespmem:s9+$0xCCA0]  }
0xbc: {  	[tilespmem:s9+$0xCBC0] =	vst v5;
	v6 =	vmul.f32 $8.000000000e+00, v3;
	v3 =	vld [tilespmem:s9+$0xCCB0]  }
0xbd: {  	s1 =	sadd.s32 $0x800, s1;
	[tilespmem:s9+$0xCBD0] =	vst v7;
	v5 =	vmul.f32 $8.000000000e+00, v4;
	v4 =	vld [tilespmem:s9+$0xCCC0]  }
0xbe: {  	[tilespmem:s9+$0xCC20] =	vst v6;
	v1 =	vmul.f32 $8.000000000e+00, v1;
	v6 =	vld [tilespmem:s9+$0xCCD0]  }
0xbf: {  	[tilespmem:s9+$0xCC30] =	vst v5;
	v0 =	vmul.f32 $8.000000000e+00, v0  }
0xc0: {  	[tilespmem:s9+$0xCC40] =	vst v1;
	v1 =	vmul.f32 $8.000000000e+00, v2  }
0xc1: {  	[tilespmem:s9+$0xCC50] =	vst v0;
	v0 =	vmul.f32 $8.000000000e+00, v3  }
0xc2: {  	[tilespmem:s9+$0xCCA0] =	vst v1;
	v1 =	vmul.f32 $8.000000000e+00, v4  }
0xc3: {  	[tilespmem:s9+$0xCCB0] =	vst v0;
	v0 =	vmul.f32 $8.000000000e+00, v6  }
0xc4: {  	[tilespmem:s9+$0xCCC0] =	vst v1  }
0xc5: {  	s0 =	sor.u32 $0x3, s8;
	[tilespmem:s9+$0xCCD0] =	vst v0  }
0xc6: {  	[hbm4b:s6+s3] =	stream.linear.scatter [tilespmem:s20], [sflag:$0x7], $0x6400, $0x38;
	[tilespmem:$0x19320] =	vst v63  }
0xc7: {  	s1 =	simm.s32 @!p0 $0x6;
	s6 =	smul.u32 @!p0 $0xC8, s0  }
0xc8: {  	_ =	swait.ge @!p0 [sflag:s1], $0x6400  }
0xc9: {  	[sflag:s1] =	ssyncset.done @!p0 $0x0;
	s6 =	sshrl.u32 @!p0 s6, $0x3  }
0xca: {  	[sflag:s1] =	ssyncadd.s32 @!p0 $0xFFFF9C00;
	s1 =	sadd.s32 @!p0 s2, s6  }
0xcb: {  	s8 =	simm.s32 @!p0 $0xC8;
	s6 =	simm.s32 @!p0 $0x0;
	s1 =	sadd.s32 @!p0 $0x32, s1  }
0xcc: {  	[tilespmem:s8], [sflag:$0x9] =	stream.linear.gather @!p0 [hbm4b:s1+s6], $0xC8, $0x38;
	[tilespmem:$0x19320] =	vst v63  }
0xcd: {  	s1 =	simm.s32 @!p0 $0x9  }
0xce: {  	_ =	swait.ge @!p0 [sflag:s1], $0xC8  }
0xcf: {  	[sflag:s1] =	ssyncset.done @!p0 $0x0  }
0xd0: {  	s6 =	simm.s32 @!p0 $0x6720;
	[sflag:s1] =	ssyncadd.s32 @!p0 $0xFFFFFF38;
	s1 =	simm.s32 @!p0 $0x80  }
0xd1: {  	[tilespmem:s6], [sflag:$0x2] =	stream.indirect.gather @!p0 [hbm4b:s4+s1], $0x80, s8, s1, $0xb8;
	[tilespmem:$0x19320] =	vst v63  }
0xd2: {  	s1 =	simm.s32 @!p0 $0x48;
	s6 =	simm.s32 @!p0 $0x148;
	s8 =	simm.s32 @!p0 $0xA720  }
0xd3: {  	[tilespmem:s8], [sflag:$0x2] =	stream.indirect.gather @!p0 [hbm4b:s4+s1], $0x80, s6, s1, $0xb8;
	[tilespmem:$0x19320] =	vst v63  }
0xd4: {  	_ =	swait.ge [sflag:s31], $0x6400  }
0xd5: {  	[sflag:s31] =	ssyncset.done $0x0  }
0xd6: {  	s8 =	simm.s32 $0x0;
	[sflag:s31] =	ssyncadd.s32 $0xFFFF9C00  }
0xd7: {  	v0 =	vld [tilespmem:s8+$0x12F20]  }
0xd8: {  	v1 =	vld [tilespmem:s8+$0x12F30]  }
0xd9: {  	v2 =	vld [tilespmem:s8+$0x12F40]  }
0xda: {  	v3 =	vld [tilespmem:s8+$0x12F50]  }
0xdb: {  	v4 =	vld [tilespmem:s8+$0x12FA0]  }
0xdc: {  	v5 =	vld [tilespmem:s8+$0x12FB0];
	v0 =	vmul.f32 $8.000000000e+00, v0  }
0xdd: {  	v6 =	vld [tilespmem:s8+$0x12FC0];
	v1 =	vmul.f32 $8.000000000e+00, v1  }
0xde: {  	v7 =	vld [tilespmem:s8+$0x12FD0];
	[tilespmem:s8+$0x12F20] =	vst v0;
	v0 =	vmul.f32 $8.000000000e+00, v2  }
0xdf: {  	v8 =	vld [tilespmem:s8+$0x13020];
	[tilespmem:s8+$0x12F30] =	vst v1;
	v1 =	vmul.f32 $8.000000000e+00, v3  }
0xe0: {  	v9 =	vld [tilespmem:s8+$0x13030];
	[tilespmem:s8+$0x12F40] =	vst v0;
	v0 =	vmul.f32 $8.000000000e+00, v4  }
0xe1: {  	v2 =	vmul.f32 $8.000000000e+00, v5;
	[tilespmem:s8+$0x12F50] =	vst v1;
	v1 =	vld [tilespmem:s8+$0x13040]  }
0xe2: {  	v3 =	vmul.f32 $8.000000000e+00, v6;
	[tilespmem:s8+$0x12FA0] =	vst v0;
	v0 =	vld [tilespmem:s8+$0x13050]  }
0xe3: {  	s0 =	smul.u32 $0xC80, s0;
	[tilespmem:s8+$0x12FB0] =	vst v2;
	v2 =	vld [tilespmem:s8+$0x130A0];
	v4 =	vmul.f32 $8.000000000e+00, v7  }
0xe4: {  	v6 =	vmul.f32 $8.000000000e+00, v8;
	[tilespmem:s8+$0x12FC0] =	vst v3;
	v3 =	vld [tilespmem:s8+$0x130B0]  }
0xe5: {  	s6 =	sadd.s32 s5, s0;
	s1 =	simm.s32 $0x800;
	v5 =	vmul.f32 $8.000000000e+00, v9;
	[tilespmem:s8+$0x12FD0] =	vst v4;
	v4 =	vld [tilespmem:s8+$0x130C0]  }
.LBB2_9:
0xe6: {  	s0 =	sshra.s32 s1, $0x2;
	p0 =	sne.s32 s1, $0x18800;
	[tilespmem:s8+$0x13020] =	vst v6;
	v1 =	vmul.f32 $8.000000000e+00, v1;
	v6 =	vld [tilespmem:s8+$0x130D0]  }
0xe7: {  	v7 =	vld [tilespmem:s0+$0x12F20];
	[tilespmem:s8+$0x13030] =	vst v5;
	v0 =	vmul.f32 $8.000000000e+00, v0  }
0xe8: {  	v5 =	vld [tilespmem:s0+$0x12F30];
	[tilespmem:s8+$0x13040] =	vst v1;
	v1 =	vmul.f32 $8.000000000e+00, v2  }
0xe9: {  	v2 =	vld [tilespmem:s0+$0x12F40];
	[tilespmem:s8+$0x13050] =	vst v0;
	v0 =	vmul.f32 $8.000000000e+00, v3  }
0xea: {  	v3 =	vld [tilespmem:s0+$0x12F50];
	[tilespmem:s8+$0x130A0] =	vst v1;
	v1 =	vmul.f32 $8.000000000e+00, v4  }
0xeb: {  	v4 =	vld [tilespmem:s0+$0x12FA0];
	[tilespmem:s8+$0x130B0] =	vst v0;
	v0 =	vmul.f32 $8.000000000e+00, v6  }
0xec: {  	v6 =	vmul.f32 $8.000000000e+00, v7;
	v7 =	vld [tilespmem:s0+$0x12FB0];
	[tilespmem:s8+$0x130C0] =	vst v1  }
0xed: {  	v1 =	vmul.f32 $8.000000000e+00, v5;
	v5 =	vld [tilespmem:s0+$0x12FC0];
	[tilespmem:s8+$0x130D0] =	vst v0;
	s8 =	smov.u32 s0  }
0xee: {  	[tilespmem:s8+$0x12F20] =	vst v6;
	v0 =	vmul.f32 $8.000000000e+00, v2;
	v2 =	vld [tilespmem:s8+$0x12FD0]  }
0xef: {  	[tilespmem:s8+$0x12F30] =	vst v1;
	v1 =	vmul.f32 $8.000000000e+00, v3;
	v3 =	vld [tilespmem:s8+$0x13020]  }
0xf0: {  	[tilespmem:s8+$0x12F40] =	vst v0;
	v0 =	vmul.f32 $8.000000000e+00, v4;
	v4 =	vld [tilespmem:s8+$0x13030]  }
.Ltmp3:
0xf1: {  	[tilespmem:s8+$0x12F50] =	vst v1;
	v6 =	vmul.f32 $8.000000000e+00, v7;
	v1 =	vld [tilespmem:s8+$0x13040];
	(pc) =	sbr.rel @p0 .LBB2_9-.Ltmp3, $4  }
0xf2: {  	[tilespmem:s8+$0x12FA0] =	vst v0;
	v5 =	vmul.f32 $8.000000000e+00, v5;
	v0 =	vld [tilespmem:s8+$0x13050]  }
0xf3: {  	[tilespmem:s8+$0x12FB0] =	vst v6;
	v7 =	vmul.f32 $8.000000000e+00, v2;
	v2 =	vld [tilespmem:s8+$0x130A0]  }
0xf4: {  	[tilespmem:s8+$0x12FC0] =	vst v5;
	v6 =	vmul.f32 $8.000000000e+00, v3;
	v3 =	vld [tilespmem:s8+$0x130B0]  }
0xf5: {  	s1 =	sadd.s32 $0x800, s1;
	[tilespmem:s8+$0x12FD0] =	vst v7;
	v5 =	vmul.f32 $8.000000000e+00, v4;
	v4 =	vld [tilespmem:s8+$0x130C0]  }
0xf6: {  	[tilespmem:s8+$0x13020] =	vst v6;
	v1 =	vmul.f32 $8.000000000e+00, v1;
	v59 =	vld [tilespmem:s8+$0x130D0]  }
0xf7: {  	[tilespmem:s8+$0x13030] =	vst v5;
	v0 =	vmul.f32 $8.000000000e+00, v0  }
0xf8: {  	s15 =	sadd.s32 $0x1, s15;
	[tilespmem:s8+$0x13040] =	vst v1;
	v60 =	vmul.f32 $8.000000000e+00, v2  }
0xf9: {  	p0 =	sne.s32 s15, $0x20;
	[tilespmem:s8+$0x13050] =	vst v0;
	v61 =	vmul.f32 $8.000000000e+00, v3  }
.Ltmp4:
0xfa: {  	[tilespmem:s8+$0x130A0] =	vst v60;
	v62 =	vmul.f32 $8.000000000e+00, v4;
	(pc) =	sbr.rel @p0 .LBB2_2-.Ltmp4, $4  }
0xfb: {  	[tilespmem:s8+$0x130B0] =	vst v61;
	v63 =	vmul.f32 $8.000000000e+00, v59  }
0xfc: {  	[tilespmem:s8+$0x130C0] =	vst v62  }
0xfd: {  	[tilespmem:s8+$0x130D0] =	vst v63  }
0xfe: {  	[hbm4b:s6+s3] =	stream.linear.scatter [tilespmem:s25], [sflag:$0x8], $0x6400, $0x38;
	[tilespmem:$0x19320] =	vst v63  }
0xff: {  	s0 =	simm.s32 $0x5  }
0x100: {  	_ =	swait.ge [sflag:s0], $0x6400  }
0x101: {  	[sflag:s0] =	ssyncset.done $0x0  }
0x102: {  	s9 =	simm.s32 $0x6;
	[sflag:s0] =	ssyncadd.s32 $0xFFFF9C00  }
0x103: {  	_ =	swait.ge [sflag:s9], $0x6400  }
0x104: {  	[sflag:s9] =	ssyncset.done $0x0  }
0x105: {  	[sflag:s9] =	ssyncadd.s32 $0xFFFF9C00  }
0x106: {  	_ =	swait.ge [sflag:s14], $0x6400  }
0x107: {  	[sflag:s14] =	ssyncset.done $0x0  }
0x108: {  	[sflag:s14] =	ssyncadd.s32 $0xFFFF9C00  }
0x109: {  	_ =	swait.ge [sflag:s17], $0x6400  }
0x10a: {  	s18 =	sadd.s32 $0x1, s18;
	s15 =	rddreg [dreg:$0x5]  }
0x10b: {  	p0 =	sne.s32 s18, s15  }
.Ltmp5:
0x10c: {  	_ = 	snop;
	(pc) =	sbr.rel @p0 .LBB2_1-.Ltmp5, $3  }
0x10d: {  	_ =	sdelay $0x1  }
0x10e: {  	[sflag:s17] =	ssyncset.done $0x0  }
0x10f: {  	[sflag:s17] =	ssyncadd.s32 $0xFFFF9C00  }
0x110: {  	_ =	sfence.sel $0x180000  }
0x111: {  	[bflag:$0x0] =	sbarrier.arrive $0xFFFF  }
0x112: {  	_ =	strace $0x90000047  }
0x113: {  	s0 =	stileid.u32;
	[bflag:$0x2] =	sbarrier.arrive $0xFFFF  }
0x114: {  	p0 =	sne.s32 s0, $0x0;
	s0 =	rddreg [dreg:$0x2]  }
0x115: {  	s0 =	sadd.s32 @!p0 $0x100000, s0  }
0x116: {  	[sflag:s0] =	ssyncadd.tile.s32 @!p0 $0x1;
	_ =	shalt  }
.Lfunc_end2:
_tile_overlayer_lowered:
.L_overlay_start_2:
0x117: {  	(tag) =	ssettag $0x2  }
0x118: {  	s0 =	rddreg [dreg:$0x0];
	s2 =	stileid.u32  }
0x119: {  	s1 =	rddreg [dreg:$0x1];
	p0 =	sne.s32 s2, $0x0  }
0x11a: {  	s3 =	rddreg [dreg:$0x2];
	[bflag:$0x3] =	sbarrier.arrive $0xFFFF;
	s2 =	simm.s32 @!p0 $0x1C09  }
0x11b: {  	[timem:s3], [sflag:s2] =	dma.local @!p0 [hbm:s0], s1  }
0x11c: {  	s0 =	simm.s32 @!p0 $0x9  }
0x11d: {  	_ =	swait.ge @!p0 [sflag:s0], s1  }
0x11e: {  	s1 =	ssub.s32 @!p0 $0x0, s1;
	[sflag:s0] =	ssyncset.done @!p0 $0x0  }
0x11f: {  	[sflag:s0] =	ssyncadd.s32 @!p0 s1  }
0x120: {  	[bflag:$0x3] =	sbarrier.arrive $0xFFFF  }
0x121: {  	_ =	shalt  }

// kernel: sparse-core-data-format-call.cloned.1.call-start
scs
called_computation_lowered:
.L_overlay_start_0:
0x0: {  	s2 =	sld [smem:$0x3FD9]  }
0x1: {  	s3 =	sld [smem:$0x3FFE];
	_ =	sdelay $0x1  }
0x2: {  	s1 =	srdreg.scid  }
0x3: {  	s0 =	sand.u32 $0x1, s1  }
0x4: {  	s18 =	sshll.u32 s0, $0xA;
	s2 =	sadd.s32 s3, s2  }
0x5: {  	s2 =	sadd.s32 s2, s18  }
0x6: {  	[smem:$0x3FC6] =	sst s2  }
0x7: {  	_ = 	snop  }
0x8: {  	s2 =	sld [smem:$0x3FD0];
	(tm) =	ssettm $0x1  }
0x9: {  	s19 =	sld [smem:$0x3FFB];
	_ =	sdelay $0x3  }
0xa: {  	_ =	strace s19  }
0xb: {  	s3 =	sld [smem:$0x3FFC];
	_ =	sdelay $0x3  }
0xc: {  	_ =	strace s3  }
0xd: {  	s3 =	sld [smem:$0x3FFD];
	_ =	sdelay $0x3  }
0xe: {  	_ =	strace s3  }
0xf: {  	_ =	strace $0x8FFFFFFF  }
0x10: {  	s20 =	sld [smem:$0x3FDB];
	_ =	sdelay $0x1  }
0x11: {  	s4 =	simm.s32 $_scs_section_size  }
0x12: {  	s5 =	simm.s32 $_size__tile_overlayer_lowered;
	s6 =	simm.s32 $_tile_overlayer_lowered  }
0x13: {  	s23 =	simm.s32 $0x1BFF;
	s22 =	sshll.u32 s6, $0x1;
	s3 =	sadd.s32 s4, s20  }
0x14: {  	s7 =	simm.s32 $0x0;
	s21 =	sshll.u32 s5, $0x1;
	s5 =	sadd.s32 s22, s3  }
0x15: {  	[timem:s7], [sflag:s23] =	dma.local [hbm:s5], s21  }
0x16: {  	_ =	swait.ge [sflag:s23], s21  }
0x17: {  	s4 =	ssub.s32 $0x0, s21;
	[sflag:s23] =	ssyncset.done $0x0  }
0x18: {  	[sflag:s23] =	ssyncadd.s32 s4;
	_ =	sdelay $0x1  }
0x19: {  	s24 =	simm.s32 $0x1B8B  }
0x1a: {  	_ =	swait.ge [sflag:s24], $0x1  }
0x1b: {  	[sflag:s24] =	ssyncset.done $0x0  }
0x1c: {  	s26 =	simm.s32 $0x1B8E;
	s25 =	sld [smem:$0x3FFE];
	[sflag:s24] =	ssyncadd.s32 $0xFFFFFFFF  }
0x1d: {  	s27 =	simm.s32 $execute0_lowered;
	[smem:$0x3FD2] =	sst s26  }
0x1e: {  	s5 =	sshll.u32 s27, $0x1;
	_ =	strace $0x80000049;
	[dreg:$0x1] =	wrdreg $0xFFFFFFFF  }
0x1f: {  	s28 =	simm.s32 $_size_execute0_lowered;
	s3 =	sadd.s32 s3, s5;
	[dreg:$0x0] =	wrdreg $0x0  }
0x20: {  	s5 =	sshll.u32 s28, $0x1;
	[dreg:$0x2] =	wrdreg s3  }
0x21: {  	[dreg:$0x3] =	wrdreg s5  }
0x22: {  	[dreg:$0x4] =	wrdreg $0xC0  }
0x23: {  	_ =	task [dreg:s7], $0x5FFFF  }
0x24: {  	[dreg:$0x1] =	wrdreg $0xFFFFFFFF  }
0x25: {  	[dreg:$0x0] =	wrdreg $0x60  }
0x26: {  	[dreg:$0x2] =	wrdreg s25  }
0x27: {  	[dreg:$0x3] =	wrdreg s2  }
0x28: {  	[dreg:$0x4] =	wrdreg $0x9  }
0x29: {  	_ =	task.clear_ibuf [dreg:s7], $0x5FFFF;
	_ =	strace $0x90000049  }
0x2a: {  	s29 =	simm.s32 $0x9;
	_ =	strace $0x8000004B  }
0x2b: {  	_ =	swait.ge [sflag:s29], $0x1  }
0x2c: {  	[sflag:s29] =	ssyncadd.s32 $0xFFFFFFFF  }
0x2d: {  	_ =	strace $0x9000004B  }
0x2e: {  	_ =	sfence  }
0x2f: {  	s30 =	sld [smem:$0x0];
	_ =	sdelay $0x2  }
0x30: {  	s31 =	sshll.u32 s1, $0xD;
	s1 =	sshrl.u32 s1, $0x2  }
0x31: {  	s3 =	sand.u32 $0x4000, s31;
	s1 =	sadd.s32 s1, s30  }
0x32: {  	s0 =	sor.u32 s3, s0;
	s1 =	sshll.u32 s1, $0x11  }
0x33: {  	s0 =	sor.u32 s1, s0  }
0x34: {  	s0 =	sadd.s32 $0x8F2B, s0  }
0x35: {  	[sflag:s0] =	ssyncadd.remote.s32 $0x1  }
0x36: {  	_ =	sfence.sel $0xFFFF  }
0x37: {  	[dreg:$0x0] =	wrdreg $0xFFFFFFFF;
	(pc) =	sbr.abs _section_cstart, $3  }
0x38: {  	[dreg:$0x1] =	wrdreg $0xFFFFFFFF  }
0x39: {  	_ =	task.clear_ibuf [dreg:s7], $0x2FFFF;
	_ =	strace $0x9FFFFFFF  }
0x3a: {  	(tm) =	ssettm $0x7FFFFFFF  }
0x3b: {  	_ =	shalt  }
tec
execute0_lowered:
.L_overlay_start_1:
0x0: {  	(tag) =	ssettag $0x1  }
0x1: {  	s0 =	srdreg.scid  }
0x2: {  	s1 =	sshll.u32 s0, $0x4  }
0x3: {  	s0 =	stileid.u32;
	s1 =	sand.u32 $0x10, s1  }
0x4: {  	s1 =	sor.u32 s0, s1  }
0x5: {  	s6 =	rddreg [dreg:$0x0];
	s4 =	simm.s32 $0x1;
	s2 =	sshll.u32 s1, $0x7  }
0x6: {  	s7 =	simm.s32 $0x2;
	s12 =	simm.s32 $0x0;
	s1 =	ssub.s32 $0x1000, s2  }
0x7: {  	s8 =	simm.s32 $0x8000;
	s13 =	simm.s32 $0x0;
	s3 =	sand.u32 $0xF80, s1  }
0x8: {  	s9 =	simm.s32 $0x0;
	s5 =	sshrl.u32 s1, $0xC;
	p0 =	sne.s32 s3, $0x0  }
.Ltmp0:
0x9: {  	s1 =	rddreg [dreg:$0x2];
	s4 =	simm.s32 @!p0 $0x0;
	(pc) =	sbr.rel .LBB1_1-.Ltmp0, $4  }
0xa: {  	s11 =	simm.s32 $0x0;
	s3 =	rddreg [dreg:$0x1];
	s5 =	sadd.s32 s4, s5  }
0xb: {  	_ =	strace $0x8000004A;
	s4 =	simm.s32 $0x1;
	s5 =	smul.u32 $0xC8, s5  }
0xc: {  	s6 =	sadd.s32 $0xA00, s6;
	s10 =	smov.u32 s2;
	[sflag:s4] =	ssyncpa.u1 $0x0  }
0xd: {  	p0 =	por $0x0, $0x0;
	[sflag:s7] =	ssyncpa.u1 $0x0;
	s7 =	sor.u32 $0x1, s5  }
.LBB1_4:
0xe: {  	s16 =	sshll.u32 s13, $0x3;
	s17 =	sand.u32 $0x78, s13  }
0xf: {  	s30 =	sand.u32 $0x7E00, s13;
	s12 =	sshll.u32 s12, $0xF;
	s16 =	sand.u32 $0xC00, s16  }
0x10: {  	[tilespmem:s15+$0x810 ss:$0x81] =	vst.msk $0xffff, v2;
	s31 =	sand.u32 $0x7, s13;
	s16 =	sor.u32 s17, s16;
	s17 =	sadd.s32 s3, s30  }
0x11: {  	[tilespmem:s15+$0x1020 ss:$0x81] =	vst.msk $0xffff, v0;
	s13 =	sshll.u32 s31, $0x12;
	s12 =	sadd.s32 s12, s17;
	s16 =	sshrl.u32 s16, $0x3  }
0x12: {  	[tilespmem:s15+$0x0 ss:$0x81] =	vst.msk $0xffff, v1;
	s13 =	sor.u32 $0x400, s13;
	s12 =	sadd.s32 s16, s12  }
0x13: {  	[hbm4b:s12+s13] =	stream.strided.scatter [tilespmem:s14], [sflag:$0x2], $0x2000, s8, s13, $0x20;
	[tilespmem:$0x8080] =	vst v63  }
.LBB1_5:
0x14: {  	s14 =	sadd.s32 $0x1, s9  }
0x15: {  	s12 =	sadd.s32 $0x1000, s10;
	s16 =	smov.u32 s10;
	p2 =	sgt.s32 s14, $0xC7  }
0x16: {  	s16 =	smov.u32 @p2 s12  }
0x17: {  	s14 =	simm.s32 @p2 $0x0;
	p2 =	sgt.s32 s16, $0xFFF  }
0x18: {  	s16 =	smov.u32 @p2 s2;
	p2 =	sne.s32 s11, s7  }
.Ltmp1:
0x19: {  	p1 =	slt.u32 s11, $0x2;
	(pc) =	sbr.rel @!p2 .LBB1_6-.Ltmp1, $4  }
0x1a: {  	s15 =	simm.s32 @!p1 $0x2  }
0x1b: {  	s13 =	smov.u32 s10;
	p0 =	por !p0, !p0;
	_ =	swait.ge @!p1 [sflag:s15], $0x2000  }
0x1c: {  	s12 =	smov.u32 s9;
	[sflag:s15] =	ssyncset.done @!p1 $0x0;
	s9 =	smov.u32 s14  }
0x1d: {  	s11 =	sadd.s32 $0x1, s11;
	[sflag:s15] =	ssyncadd.s32 @!p1 $0xFFFFE000;
	s10 =	smov.u32 s16  }
.LBB1_1:
0x1e: {  	p1 =	sge.u32 s11, s5  }
0x1f: {  	s14 =	sand.u32 @!p1 $0x1FFFFFF, s9  }
0x20: {  	s15 =	smulhi.u32 @!p1 $0x147AE15, s14;
	_ =	sdelay $0x1  }
0x21: {  	s15 =	smul.u32 @!p1 $0xC8, s15  }
0x22: {  	s16 =	sxor.u32 @!p1 $0xFFFFFFFF, s11;
	s17 =	smul.u32 @!p1 $0xC80, s10  }
0x23: {  	s31 =	sadd.s32 $0xFFFFFFFF, s11;
	s16 =	sshll.u32 @!p1 s16, $0xD;
	s14 =	ssub.s32 @!p1 s14, s15  }
0x24: {  	s15 =	sand.u32 @!p1 $0x2000, s16;
	s16 =	sadd.s32 @!p1 s6, s17;
	s14 =	sshll.u32 @!p1 s14, $0x4  }
0x25: {  	s17 =	simm.s32 @!p1 $0x6400;
	s14 =	sadd.s32 @!p1 s14, s16;
	s16 =	simm.s32 @!p1 $0x40  }
0x26: {  	[tilespmem:s15], [sflag:$0x1] =	stream.strided.gather @!p1 [hbm4b:s14+s16], $0x2000, s17, s16, $0x38;
	[tilespmem:$0x8080] =	vst v63  }
0x27: {  	p1 =	sge.u32 s31, s5  }
.Ltmp2:
0x28: {  	_ = 	snop;
	(pc) =	sbr.rel @p1 .LBB1_5-.Ltmp2, $1  }
0x29: {  	_ =	sdelay $0x3  }
0x2a: {  	s14 =	simm.s32 $0x1  }
0x2b: {  	_ =	swait.ge [sflag:s4], $0x2000;
	s14 =	simm.s32 @!p0 $0x0  }
0x2c: {  	[sflag:s4] =	ssyncset.done $0x0;
	s15 =	sshll.u32 s14, $0xD  }
0x2d: {  	[sflag:s4] =	ssyncadd.s32 $0xFFFFE000;
	s18 =	sor.u32 $0x20, s15  }
0x2e: {  	s14 =	smul.u32 $0x8100, s14;
	v3 =	vld [tilespmem:s18+$0x10]  }
0x2f: {  	s30 =	sand.u32 $0x1, s11;
	v2 =	vld [tilespmem:s18+$0xFFFFFFF0]  }
0x30: {  	s15 =	smul.u32 $0x8100, s30;
	s14 =	sshrl.u32 s14, $0x2;
	v0 =	vld [tilespmem:s18+$0x0]  }
0x31: {  	v1 =	vld [tilespmem:s18+$0xFFFFFFE0];
	s16 =	sor.u32 $0x4000, s14  }
0x32: {  	s31 =	sshrl.u32 s15, $0x2;
	s15 =	sadd.s32 $0x0, s16  }
0x33: {  	s17 =	simm.s32 $0x4;
	s18 =	sadd.s32 $0x40, s18;
	s14 =	sor.u32 $0x4000, s31;
	[tilespmem:s15+$0x1830 ss:$0x81] =	vst.msk $0xffff, v3  }
.LBB1_3:
0x34: {  	v3 =	vld [tilespmem:s18+$0x10];
	p1 =	sne.s32 s17, $0x1FC;
	[tilespmem:s15+$0x810 ss:$0x81] =	vst.msk $0xffff, v2;
	s19 =	smov.u32 s17;
	s17 =	sadd.s32 $0x4, s17  }
.Ltmp3:
0x35: {  	v2 =	vld [tilespmem:s18+$0xFFFFFFF0];
	[tilespmem:s15+$0x1020 ss:$0x81] =	vst.msk $0xffff, v0;
	(pc) =	sbr.rel @p1 .LBB1_3-.Ltmp3, $4  }
0x36: {  	v0 =	vld [tilespmem:s18+$0x0];
	[tilespmem:s15+$0x0 ss:$0x81] =	vst.msk $0xffff, v1  }
0x37: {  	s15 =	sshra.s32 s19, $0x2;
	v1 =	vld [tilespmem:s18+$0xFFFFFFE0]  }
0x38: {  	s15 =	sadd.s32 s15, s16  }
0x39: {  	s18 =	sadd.s32 $0x40, s18;
	[tilespmem:s15+$0x1830 ss:$0x81] =	vst.msk $0xffff, v3  }
.Ltmp4:
0x3a: {  	_ = 	snop;
	(pc) =	sbr.rel .LBB1_4-.Ltmp4, $1  }
0x3b: {  	_ =	sdelay $0x3  }
.LBB1_6:
0x3c: {  	_ =	sfence.sel $0x180000  }
0x3d: {  	s2 =	simm.s32 $0x1;
	[bflag:$0x0] =	sbarrier.arrive $0xFFFF  }
0x3e: {  	s31 =	simm.s32 $0x2;
	[sflag:s2] =	ssyncpa.u1 $0x1  }
0x3f: {  	[sflag:s31] =	ssyncpa.u1 $0x1  }
0x40: {  	p0 =	sne.s32 s0, $0x0;
	_ =	strace $0x9000004A  }
0x41: {  	s0 =	sadd.s32 @!p0 $0x100000, s1;
	[bflag:$0x2] =	sbarrier.arrive $0xFFFF  }
0x42: {  	[sflag:s0] =	ssyncadd.tile.s32 @!p0 $0x1;
	_ =	shalt  }
.Lfunc_end1:
_tile_overlayer_lowered:
.L_overlay_start_2:
0x43: {  	(tag) =	ssettag $0x2  }
0x44: {  	s0 =	rddreg [dreg:$0x0];
	s2 =	stileid.u32  }
0x45: {  	s1 =	rddreg [dreg:$0x1];
	p0 =	sne.s32 s2, $0x0  }
0x46: {  	s3 =	rddreg [dreg:$0x2];
	[bflag:$0x3] =	sbarrier.arrive $0xFFFF;
	s2 =	simm.s32 @!p0 $0x1C01  }
0x47: {  	[timem:s3], [sflag:s2] =	dma.local @!p0 [hbm:s0], s1  }
0x48: {  	s0 =	simm.s32 @!p0 $0x1  }
0x49: {  	_ =	swait.ge @!p0 [sflag:s0], s1  }
0x4a: {  	s1 =	ssub.s32 @!p0 $0x0, s1;
	[sflag:s0] =	ssyncset.done @!p0 $0x0  }
0x4b: {  	[sflag:s0] =	ssyncadd.s32 @!p0 s1  }
0x4c: {  	[bflag:$0x3] =	sbarrier.arrive $0xFFFF  }
0x4d: {  	_ =	shalt  }

</sc_bundles>
